<compile_context>
chip_gen: v7x
topology: tpu7x:2x2x1
jax: 0.10.2.dev20260603
libtpu: 0.0.44.dev20260713+nightly
codegen_flags: <defaults>
</compile_context>

<pallas_src>
import functools

import jax
import jax.numpy as jnp
from jax import lax
from jax.experimental import pallas as pl
from jax.experimental.pallas import tpu as pltpu
from jax.experimental.pallas import tpu_sc as plsc

VOCAB = 100000
EMB = 64
NUM_CLASS = 2
B = 16384
L = 200

NC = 2
NS = 16
NW = NC * NS
BAGS_PER_TEC = B // NW
GROUP = 16
CHUNK = 128
NCHUNK = BAGS_PER_TEC // CHUNK
SUBG = CHUNK // GROUP
RSLICE = 40
NSLICE = L // RSLICE
TSLICES = NCHUNK * NSLICE
NBUF = 4
POS_UNROLL = 8
PBLK = 20480
VOCAB_PAD = 102400
PGRID = VOCAB_PAD // PBLK


def _rne_bf16_hi(x_f32):
    u = lax.bitcast_convert_type(x_f32, jnp.int32)
    lsb = lax.shift_right_logical(u, 16) & 1
    r = u + jnp.int32(0x7FFF) + lsb
    return r & jnp.int32(-65536)


def _proj_body(embt_ref, w_ref, out_ref):
    pf = lax.dot_general(
        w_ref[...], embt_ref[...], (((1,), (0,)), ((), ())),
        preferred_element_type=jnp.float32)
    hi0 = _rne_bf16_hi(pf[0:1, :])
    hi1 = _rne_bf16_hi(pf[1:2, :])
    packed = hi1 | lax.shift_right_logical(hi0, 16)
    out_ref[...] = packed.reshape(PBLK)


def _project(emb_table_t, fc_w):
    return pl.pallas_call(
        _proj_body,
        grid=(PGRID,),
        in_specs=[
            pl.BlockSpec((EMB, PBLK), lambda i: (0, i)),
            pl.BlockSpec((NUM_CLASS, EMB), lambda i: (0, 0)),
        ],
        out_specs=pl.BlockSpec((PBLK,), lambda i: (i,)),
        out_shape=jax.ShapeDtypeStruct((VOCAB_PAD,), jnp.int32),
    )(emb_table_t, fc_w)


def _bags_body(ptab_hbm, tokt_hbm, bias_hbm, out_hbm,
               tab_sh, table_v, buf0_v, buf1_v, buf2_v, buf3_v,
               res_v, acc_v, bias_v, sem0, sem1, sem2, sem3):
    c = lax.axis_index("c")
    s = lax.axis_index("s")
    wid = s * NC + c
    col0 = wid * BAGS_PER_TEC
    sems = (sem0, sem1, sem2, sem3)
    bufs = (buf0_v, buf1_v, buf2_v, buf3_v)

    def start_slice_copy(t, bb):
        col = col0 + (t // NSLICE) * CHUNK
        r0 = (t % NSLICE) * RSLICE
        pltpu.async_copy(
            tokt_hbm.at[pl.ds(r0, RSLICE), pl.ds(col, CHUNK)],
            bufs[bb], sems[bb])

    def wait_slice_copy(bb):
        pltpu.make_async_copy(
            tokt_hbm.at[pl.ds(0, RSLICE), pl.ds(0, CHUNK)],
            bufs[bb], sems[bb]).wait()

    for bb in range(NBUF):
        start_slice_copy(bb, bb)

    @pl.when(s == 0)
    def _():
        pltpu.sync_copy(ptab_hbm, tab_sh)

    plsc.subcore_barrier()
    pltpu.sync_copy(tab_sh, table_v)
    pltpu.sync_copy(bias_hbm, bias_v)

    iota16 = lax.iota(jnp.int32, 16)
    b0 = bias_v[0, :]
    b1 = bias_v[1, :]
    inv_l = jnp.float32(1.0 / L)
    zerov = jnp.zeros((16,), jnp.float32)

    for j in range(SUBG):
        acc_v[pl.ds(j * GROUP, GROUP)] = zerov
        acc_v[pl.ds(CHUNK + j * GROUP, GROUP)] = zerov

    @pl.loop(0, TSLICES, step=NBUF)
    def _outer(t4):
        for bb in range(NBUF):
            t = t4 + bb
            wait_slice_copy(bb)
            rc = lax.rem(t, NSLICE)
            g = lax.div(t, NSLICE)

            @pl.loop(0, SUBG)
            def _groups(j, bb=bb):
                a0 = acc_v[pl.ds(j * GROUP, GROUP)]
                a1 = acc_v[pl.ds(CHUNK + j * GROUP, GROUP)]

                def pos_body(i, carry, bb=bb, j=j):
                    a0, a1, c0, c1 = carry
                    for k in range(POS_UNROLL):
                        p = i * POS_UNROLL + k
                        toks = bufs[bb][p, pl.ds(j * GROUP, GROUP)]
                        packed = plsc.load_gather(table_v, [toks])
                        lo = plsc.bitcast(packed << 16, jnp.float32)
                        hi = plsc.bitcast(packed & jnp.int32(-65536),
                                          jnp.float32)
                        if k % 2 == 0:
                            a0 = a0 + lo
                            a1 = a1 + hi
                        else:
                            c0 = c0 + lo
                            c1 = c1 + hi
                    return a0, a1, c0, c1

                a0, a1, c0, c1 = lax.fori_loop(
                    0, RSLICE // POS_UNROLL, pos_body,
                    (a0, a1, zerov, zerov))
                acc_v[pl.ds(j * GROUP, GROUP)] = a0 + c0
                acc_v[pl.ds(CHUNK + j * GROUP, GROUP)] = a1 + c1

            tt = t + NBUF

            @pl.when(tt < TSLICES)
            def _(bb=bb, tt=tt):
                start_slice_copy(tt, bb)

            @pl.when(rc == NSLICE - 1)
            def _(g=g):
                @pl.loop(0, SUBG)
                def _fin(j):
                    a0 = acc_v[pl.ds(j * GROUP, GROUP)]
                    a1 = acc_v[pl.ds(CHUNK + j * GROUP, GROUP)]
                    base = g * CHUNK + j * GROUP
                    res_v[0, pl.ds(base, GROUP)] = a0 * inv_l + b0
                    res_v[1, pl.ds(base, GROUP)] = a1 * inv_l + b1
                    acc_v[pl.ds(j * GROUP, GROUP)] = zerov
                    acc_v[pl.ds(CHUNK + j * GROUP, GROUP)] = zerov

    pltpu.sync_copy(res_v, out_hbm.at[:, pl.ds(col0, BAGS_PER_TEC)])


_bags = functools.partial(
    pl.kernel,
    out_type=jax.ShapeDtypeStruct((NUM_CLASS, B), jnp.float32),
    mesh=plsc.VectorSubcoreMesh(
        core_axis_name="c", subcore_axis_name="s",
        num_cores=NC, num_subcores=NS),
    compiler_params=pltpu.CompilerParams(needs_layout_passes=False),
    scratch_types=[
        pltpu.VMEM_SHARED((VOCAB_PAD,), jnp.int32),
        pltpu.VMEM((VOCAB_PAD,), jnp.int32),
        pltpu.VMEM((RSLICE, CHUNK), jnp.int32),
        pltpu.VMEM((RSLICE, CHUNK), jnp.int32),
        pltpu.VMEM((RSLICE, CHUNK), jnp.int32),
        pltpu.VMEM((RSLICE, CHUNK), jnp.int32),
        pltpu.VMEM((NUM_CLASS, BAGS_PER_TEC), jnp.float32),
        pltpu.VMEM((CHUNK * NUM_CLASS,), jnp.float32),
        pltpu.VMEM((NUM_CLASS, 16), jnp.float32),
        pltpu.SemaphoreType.DMA,
        pltpu.SemaphoreType.DMA,
        pltpu.SemaphoreType.DMA,
        pltpu.SemaphoreType.DMA,
    ],
)(_bags_body)


def kernel(token_index, emb_table, fc_w, fc_b):
    packed = _project(emb_table.T, fc_w)
    bias16 = jnp.broadcast_to(fc_b[:, None], (NUM_CLASS, 16))
    out2 = _bags(packed, token_index.T, bias16)
    return out2.T

# --- scband reference (transcript-rebuilt; emitter-appended) ---
"""Pipeline reference for scband-dnn-23965917512186 (READ-ONLY COPY).

The authoritative reference and input builder live on the scoring server;
editing this copy changes nothing except your own understanding.
"""

import jax, jax.numpy as jnp
import numpy as np

VOCAB = 100000
EMB = 64
NUM_CLASS = 2
B = 16384
L = 200

def setup_inputs(seed: int = 0) -> dict:
    key = jax.random.key(seed)
    k1, k2, k3, k4 = jax.random.split(key, 4)
    token_index = jax.random.randint(k1, (B, L), 0, VOCAB, dtype=jnp.int64 if jax.config.read('jax_enable_x64') else jnp.int32)
    emb_table = jax.random.normal(k2, (VOCAB, EMB), dtype=jnp.float32) * 0.02
    fc_w = jax.random.normal(k3, (NUM_CLASS, EMB), dtype=jnp.float32) * (1.0 / np.sqrt(EMB))
    fc_b = jax.random.normal(k4, (NUM_CLASS,), dtype=jnp.float32) * 0.01
    return {"token_index": token_index, "emb_table": emb_table, "fc_w": fc_w, "fc_b": fc_b}

def reference(token_index, emb_table, fc_w, fc_b):
    # nn.EmbeddingBag with 2D input and default mode='mean':
    # each row of token_index is a bag; output is mean of embeddings per bag.
    gathered = jnp.take(emb_table, token_index, axis=0)  # [B, L, EMB]
    bag = jnp.mean(gathered, axis=1)                      # [B, EMB]
    out = bag @ fc_w.T + fc_b                             # [B, NUM_CLASS]
    return out

if __name__ == "__main__":
    import jax
    _d = setup_inputs()
    print(jax.jit(kernel)(*tuple(_d.values())))

</pallas_src>

<mosaic_0001>
#map = affine_map<(d0, d1) -> (0)>
#map1 = affine_map<(d0, d1) -> (0, 0)>
module attributes {stable_mosaic.version = 14 : i64} {
  func.func @_bags_body(%arg0: i32, %arg1: i32, %arg2: memref<102400xi32, #tpu.memory_space<hbm>>, %arg3: memref<200x16384xi32, #tpu.memory_space<hbm>>, %arg4: memref<2x16xf32, #tpu.memory_space<hbm>>, %arg5: memref<2x16384xf32, #tpu.memory_space<hbm>>, %arg6: memref<102400xi32, #tpu.memory_space<vmem_shared>>, %arg7: memref<102400xi32, #tpu.memory_space<vmem>>, %arg8: memref<40x128xi32, #tpu.memory_space<vmem>>, %arg9: memref<40x128xi32, #tpu.memory_space<vmem>>, %arg10: memref<40x128xi32, #tpu.memory_space<vmem>>, %arg11: memref<40x128xi32, #tpu.memory_space<vmem>>, %arg12: memref<2x512xf32, #tpu.memory_space<vmem>>, %arg13: memref<256xf32, #tpu.memory_space<vmem>>, %arg14: memref<2x16xf32, #tpu.memory_space<vmem>>, %arg15: memref<!tpu.dma_semaphore, #tpu.memory_space<semaphore_mem>>, %arg16: memref<!tpu.dma_semaphore, #tpu.memory_space<semaphore_mem>>, %arg17: memref<!tpu.dma_semaphore, #tpu.memory_space<semaphore_mem>>, %arg18: memref<!tpu.dma_semaphore, #tpu.memory_space<semaphore_mem>>) attributes {dimension_semantics = [#tpu.dimension_semantics<core_parallel>, #tpu.dimension_semantics<subcore_parallel>], iteration_bounds = array<i64: 2, 16>, scalar_prefetch = 0 : i64, scratch_operands = 13 : i64, tpu.core_type = #tpu.core_type<sc_vector_subcore>, window_params = [{transform_indices = #map}, {transform_indices = #map1}, {transform_indices = #map1}, {transform_indices = #map1}]} {
    %mul3A = arith.constant 2 : i32
    %mul3A_0 = arith.muli %arg1, %mul3A : i32
    %add3A = arith.addi %mul3A_0, %arg0 : i32
    %mul3A_1 = arith.constant 512 : i32
    %mul3A_2 = arith.muli %add3A, %mul3A_1 : i32
    %add3A_3 = arith.constant 0 : i32
    %add3A_4 = arith.addi %mul3A_2, %add3A_3 : i32
    %dma_start3A = arith.constant 0 : i32
    %dma_start3A_5 = tpu.memref_slice %arg3[%dma_start3A, %add3A_4] : memref<200x16384xi32, #tpu.memory_space<hbm>> -> memref<40x128xi32, #tpu.memory_space<hbm>>
    %dma_start3A_6 = arith.constant 0 : i32
    %dma_start3A_7 = tpu.memref_slice %arg3[%dma_start3A_6, %add3A_4] : memref<200x16384xi32, #tpu.memory_space<hbm>> -> memref<40x128xi32, #tpu.memory_space<hbm>>
    tpu.enqueue_dma source(%dma_start3A_7 : memref<40x128xi32, #tpu.memory_space<hbm>>) target(%arg8 : memref<40x128xi32, #tpu.memory_space<vmem>>) target_semaphore(%arg15 : memref<!tpu.dma_semaphore, #tpu.memory_space<semaphore_mem>>)
    %add3A_8 = arith.constant 0 : i32
    %add3A_9 = arith.addi %mul3A_2, %add3A_8 : i32
    %dma_start3A_10 = arith.constant 40 : i32
    %dma_start3A_11 = tpu.memref_slice %arg3[%dma_start3A_10, %add3A_9] : memref<200x16384xi32, #tpu.memory_space<hbm>> -> memref<40x128xi32, #tpu.memory_space<hbm>>
    %dma_start3A_12 = arith.constant 40 : i32
    %dma_start3A_13 = tpu.memref_slice %arg3[%dma_start3A_12, %add3A_9] : memref<200x16384xi32, #tpu.memory_space<hbm>> -> memref<40x128xi32, #tpu.memory_space<hbm>>
    tpu.enqueue_dma source(%dma_start3A_13 : memref<40x128xi32, #tpu.memory_space<hbm>>) target(%arg9 : memref<40x128xi32, #tpu.memory_space<vmem>>) target_semaphore(%arg16 : memref<!tpu.dma_semaphore, #tpu.memory_space<semaphore_mem>>)
    %add3A_14 = arith.constant 0 : i32
    %add3A_15 = arith.addi %mul3A_2, %add3A_14 : i32
    %dma_start3A_16 = arith.constant 80 : i32
    %dma_start3A_17 = tpu.memref_slice %arg3[%dma_start3A_16, %add3A_15] : memref<200x16384xi32, #tpu.memory_space<hbm>> -> memref<40x128xi32, #tpu.memory_space<hbm>>
    %dma_start3A_18 = arith.constant 80 : i32
    %dma_start3A_19 = tpu.memref_slice %arg3[%dma_start3A_18, %add3A_15] : memref<200x16384xi32, #tpu.memory_space<hbm>> -> memref<40x128xi32, #tpu.memory_space<hbm>>
    tpu.enqueue_dma source(%dma_start3A_19 : memref<40x128xi32, #tpu.memory_space<hbm>>) target(%arg10 : memref<40x128xi32, #tpu.memory_space<vmem>>) target_semaphore(%arg17 : memref<!tpu.dma_semaphore, #tpu.memory_space<semaphore_mem>>)
    %add3A_20 = arith.constant 0 : i32
    %add3A_21 = arith.addi %mul3A_2, %add3A_20 : i32
    %dma_start3A_22 = arith.constant 120 : i32
    %dma_start3A_23 = tpu.memref_slice %arg3[%dma_start3A_22, %add3A_21] : memref<200x16384xi32, #tpu.memory_space<hbm>> -> memref<40x128xi32, #tpu.memory_space<hbm>>
    %dma_start3A_24 = arith.constant 120 : i32
    %dma_start3A_25 = tpu.memref_slice %arg3[%dma_start3A_24, %add3A_21] : memref<200x16384xi32, #tpu.memory_space<hbm>> -> memref<40x128xi32, #tpu.memory_space<hbm>>
    tpu.enqueue_dma source(%dma_start3A_25 : memref<40x128xi32, #tpu.memory_space<hbm>>) target(%arg11 : memref<40x128xi32, #tpu.memory_space<vmem>>) target_semaphore(%arg18 : memref<!tpu.dma_semaphore, #tpu.memory_space<semaphore_mem>>)
    %eq3A = arith.constant 0 : i32
    %eq3A_26 = arith.cmpi eq, %arg1, %eq3A : i32
    %convert_element_type3A = arith.extui %eq3A_26 : i1 to i32
    %cond3A = arith.constant 0 : i32
    %cond3A_27 = arith.cmpi ne, %convert_element_type3A, %cond3A : i32
    scf.if %cond3A_27 {
      "tpu.region"() ({
        %run_scoped3A = tpu.sem_alloc : memref<!tpu.dma_semaphore, #tpu.memory_space<semaphore_mem>>
        tpu.enqueue_dma source(%arg2 : memref<102400xi32, #tpu.memory_space<hbm>>) target(%arg6 : memref<102400xi32, #tpu.memory_space<vmem_shared>>) target_semaphore(%run_scoped3A : memref<!tpu.dma_semaphore, #tpu.memory_space<semaphore_mem>>)
        tpu.wait_dma2 semaphore(%run_scoped3A : memref<!tpu.dma_semaphore, #tpu.memory_space<semaphore_mem>>) src(%arg2 : memref<102400xi32, #tpu.memory_space<hbm>>) dst(%arg6 : memref<102400xi32, #tpu.memory_space<vmem_shared>>)
        tpu.yield
      }) : () -> ()
    } else {
    }
    %barrier3A = arith.constant 0 : index
    tpu.barrier barrier_id(%barrier3A)
    "tpu.region"() ({
      %run_scoped3A = tpu.sem_alloc : memref<!tpu.dma_semaphore, #tpu.memory_space<semaphore_mem>>
      tpu.enqueue_dma source(%arg6 : memref<102400xi32, #tpu.memory_space<vmem_shared>>) target(%arg7 : memref<102400xi32, #tpu.memory_space<vmem>>) target_semaphore(%run_scoped3A : memref<!tpu.dma_semaphore, #tpu.memory_space<semaphore_mem>>)
      tpu.wait_dma2 semaphore(%run_scoped3A : memref<!tpu.dma_semaphore, #tpu.memory_space<semaphore_mem>>) src(%arg6 : memref<102400xi32, #tpu.memory_space<vmem_shared>>) dst(%arg7 : memref<102400xi32, #tpu.memory_space<vmem>>)
      tpu.yield
    }) : () -> ()
    "tpu.region"() ({
      %run_scoped3A = tpu.sem_alloc : memref<!tpu.dma_semaphore, #tpu.memory_space<semaphore_mem>>
      tpu.enqueue_dma source(%arg4 : memref<2x16xf32, #tpu.memory_space<hbm>>) target(%arg14 : memref<2x16xf32, #tpu.memory_space<vmem>>) target_semaphore(%run_scoped3A : memref<!tpu.dma_semaphore, #tpu.memory_space<semaphore_mem>>)
      tpu.wait_dma2 semaphore(%run_scoped3A : memref<!tpu.dma_semaphore, #tpu.memory_space<semaphore_mem>>) src(%arg4 : memref<2x16xf32, #tpu.memory_space<hbm>>) dst(%arg14 : memref<2x16xf32, #tpu.memory_space<vmem>>)
      tpu.yield
    }) : () -> ()
    %iota3A = tpu.iota {dimensions = array<i32: 0>} : vector<16xi32>
    %get3A = arith.constant 0 : i32
    %get3A_28 = arith.index_cast %get3A : i32 to index
    %get3A_29 = arith.constant 0 : index
    %get3A_30 = tpu.vector_load %arg14[%get3A_28, %get3A_29] {strides = array<i32>} : memref<2x16xf32, #tpu.memory_space<vmem>>, vector<16xf32>,
    %get3A_31 = arith.constant 1 : i32
    %get3A_32 = arith.index_cast %get3A_31 : i32 to index
    %get3A_33 = arith.constant 0 : index
    %get3A_34 = tpu.vector_load %arg14[%get3A_32, %get3A_33] {strides = array<i32>} : memref<2x16xf32, #tpu.memory_space<vmem>>, vector<16xf32>,
    %broadcast_in_dim3A = arith.constant 0.000000e+00 : f32
    %broadcast_in_dim3A_35 = vector.broadcast %broadcast_in_dim3A : f32 to vector<16xf32>
    %swap3A = arith.constant 0 : index
    %swap3A_36 = tpu.vector_load %arg13[%swap3A] {strides = array<i32>} : memref<256xf32, #tpu.memory_space<vmem>>, vector<16xf32>,
    tpu.vector_store %arg13[%swap3A], %broadcast_in_dim3A_35 {strides = array<i32>} : memref<256xf32, #tpu.memory_space<vmem>>, vector<16xf32>,
    %swap3A_37 = arith.constant 128 : index
    %swap3A_38 = tpu.vector_load %arg13[%swap3A_37] {strides = array<i32>} : memref<256xf32, #tpu.memory_space<vmem>>, vector<16xf32>,
    tpu.vector_store %arg13[%swap3A_37], %broadcast_in_dim3A_35 {strides = array<i32>} : memref<256xf32, #tpu.memory_space<vmem>>, vector<16xf32>,
    %swap3A_39 = arith.constant 16 : index
    %swap3A_40 = tpu.vector_load %arg13[%swap3A_39] {strides = array<i32>} : memref<256xf32, #tpu.memory_space<vmem>>, vector<16xf32>,
    tpu.vector_store %arg13[%swap3A_39], %broadcast_in_dim3A_35 {strides = array<i32>} : memref<256xf32, #tpu.memory_space<vmem>>, vector<16xf32>,
    %swap3A_41 = arith.constant 144 : index
    %swap3A_42 = tpu.vector_load %arg13[%swap3A_41] {strides = array<i32>} : memref<256xf32, #tpu.memory_space<vmem>>, vector<16xf32>,
    tpu.vector_store %arg13[%swap3A_41], %broadcast_in_dim3A_35 {strides = array<i32>} : memref<256xf32, #tpu.memory_space<vmem>>, vector<16xf32>,
    %swap3A_43 = arith.constant 32 : index
    %swap3A_44 = tpu.vector_load %arg13[%swap3A_43] {strides = array<i32>} : memref<256xf32, #tpu.memory_space<vmem>>, vector<16xf32>,
    tpu.vector_store %arg13[%swap3A_43], %broadcast_in_dim3A_35 {strides = array<i32>} : memref<256xf32, #tpu.memory_space<vmem>>, vector<16xf32>,
    %swap3A_45 = arith.constant 160 : index
    %swap3A_46 = tpu.vector_load %arg13[%swap3A_45] {strides = array<i32>} : memref<256xf32, #tpu.memory_space<vmem>>, vector<16xf32>,
    tpu.vector_store %arg13[%swap3A_45], %broadcast_in_dim3A_35 {strides = array<i32>} : memref<256xf32, #tpu.memory_space<vmem>>, vector<16xf32>,
    %swap3A_47 = arith.constant 48 : index
    %swap3A_48 = tpu.vector_load %arg13[%swap3A_47] {strides = array<i32>} : memref<256xf32, #tpu.memory_space<vmem>>, vector<16xf32>,
    tpu.vector_store %arg13[%swap3A_47], %broadcast_in_dim3A_35 {strides = array<i32>} : memref<256xf32, #tpu.memory_space<vmem>>, vector<16xf32>,
    %swap3A_49 = arith.constant 176 : index
    %swap3A_50 = tpu.vector_load %arg13[%swap3A_49] {strides = array<i32>} : memref<256xf32, #tpu.memory_space<vmem>>, vector<16xf32>,
    tpu.vector_store %arg13[%swap3A_49], %broadcast_in_dim3A_35 {strides = array<i32>} : memref<256xf32, #tpu.memory_space<vmem>>, vector<16xf32>,
    %swap3A_51 = arith.constant 64 : index
    %swap3A_52 = tpu.vector_load %arg13[%swap3A_51] {strides = array<i32>} : memref<256xf32, #tpu.memory_space<vmem>>, vector<16xf32>,
    tpu.vector_store %arg13[%swap3A_51], %broadcast_in_dim3A_35 {strides = array<i32>} : memref<256xf32, #tpu.memory_space<vmem>>, vector<16xf32>,
    %swap3A_53 = arith.constant 192 : index
    %swap3A_54 = tpu.vector_load %arg13[%swap3A_53] {strides = array<i32>} : memref<256xf32, #tpu.memory_space<vmem>>, vector<16xf32>,
    tpu.vector_store %arg13[%swap3A_53], %broadcast_in_dim3A_35 {strides = array<i32>} : memref<256xf32, #tpu.memory_space<vmem>>, vector<16xf32>,
    %swap3A_55 = arith.constant 80 : index
    %swap3A_56 = tpu.vector_load %arg13[%swap3A_55] {strides = array<i32>} : memref<256xf32, #tpu.memory_space<vmem>>, vector<16xf32>,
    tpu.vector_store %arg13[%swap3A_55], %broadcast_in_dim3A_35 {strides = array<i32>} : memref<256xf32, #tpu.memory_space<vmem>>, vector<16xf32>,
    %swap3A_57 = arith.constant 208 : index
    %swap3A_58 = tpu.vector_load %arg13[%swap3A_57] {strides = array<i32>} : memref<256xf32, #tpu.memory_space<vmem>>, vector<16xf32>,
    tpu.vector_store %arg13[%swap3A_57], %broadcast_in_dim3A_35 {strides = array<i32>} : memref<256xf32, #tpu.memory_space<vmem>>, vector<16xf32>,
    %swap3A_59 = arith.constant 96 : index
    %swap3A_60 = tpu.vector_load %arg13[%swap3A_59] {strides = array<i32>} : memref<256xf32, #tpu.memory_space<vmem>>, vector<16xf32>,
    tpu.vector_store %arg13[%swap3A_59], %broadcast_in_dim3A_35 {strides = array<i32>} : memref<256xf32, #tpu.memory_space<vmem>>, vector<16xf32>,
    %swap3A_61 = arith.constant 224 : index
    %swap3A_62 = tpu.vector_load %arg13[%swap3A_61] {strides = array<i32>} : memref<256xf32, #tpu.memory_space<vmem>>, vector<16xf32>,
    tpu.vector_store %arg13[%swap3A_61], %broadcast_in_dim3A_35 {strides = array<i32>} : memref<256xf32, #tpu.memory_space<vmem>>, vector<16xf32>,
    %swap3A_63 = arith.constant 112 : index
    %swap3A_64 = tpu.vector_load %arg13[%swap3A_63] {strides = array<i32>} : memref<256xf32, #tpu.memory_space<vmem>>, vector<16xf32>,
    tpu.vector_store %arg13[%swap3A_63], %broadcast_in_dim3A_35 {strides = array<i32>} : memref<256xf32, #tpu.memory_space<vmem>>, vector<16xf32>,
    %swap3A_65 = arith.constant 240 : index
    %swap3A_66 = tpu.vector_load %arg13[%swap3A_65] {strides = array<i32>} : memref<256xf32, #tpu.memory_space<vmem>>, vector<16xf32>,
    tpu.vector_store %arg13[%swap3A_65], %broadcast_in_dim3A_35 {strides = array<i32>} : memref<256xf32, #tpu.memory_space<vmem>>, vector<16xf32>,
    %scan3A = arith.constant 5.000000e-03 : f32
    %scan3A_67 = arith.constant 0 : i32
    %scan3A_68 = arith.constant 5 : i32
    %scan3A_69 = arith.addi %scan3A_67, %scan3A_68 : i32
    %scan3A_70 = arith.constant 1 : i32
    scf.for %scan3A_72 = %scan3A_67 to %scan3A_69 step %scan3A_70  : i32 {
      %mul3A_73 = arith.constant 4 : i32
      %mul3A_74 = arith.muli %scan3A_72, %mul3A_73 : i32
      %add3A_75 = arith.constant 0 : i32
      %add3A_76 = arith.addi %add3A_75, %mul3A_74 : i32
      %add3A_77 = arith.constant 0 : i32
      %add3A_78 = arith.addi %add3A_76, %add3A_77 : i32
      %dma_wait3A = arith.constant 0 : i32
      %dma_wait3A_79 = arith.constant 0 : i32
      %dma_wait3A_80 = tpu.memref_slice %arg3[%dma_wait3A, %dma_wait3A_79] : memref<200x16384xi32, #tpu.memory_space<hbm>> -> memref<40x128xi32, #tpu.memory_space<hbm>>
      %dma_wait3A_81 = arith.constant 0 : i32
      %dma_wait3A_82 = arith.constant 0 : i32
      %dma_wait3A_83 = tpu.memref_slice %arg3[%dma_wait3A_81, %dma_wait3A_82] : memref<200x16384xi32, #tpu.memory_space<hbm>> -> memref<40x128xi32, #tpu.memory_space<hbm>>
      tpu.wait_dma2 semaphore(%arg15 : memref<!tpu.dma_semaphore, #tpu.memory_space<semaphore_mem>>) src(%dma_wait3A_83 : memref<40x128xi32, #tpu.memory_space<hbm>>) dst(%arg8 : memref<40x128xi32, #tpu.memory_space<vmem>>)
      %rem3A = arith.constant 5 : i32
      %rem3A_84 = arith.remsi %add3A_78, %rem3A : i32
      %div3A = arith.constant 5 : i32
      %div3A_85 = arith.divsi %add3A_78, %div3A : i32
      %scan3A_86 = arith.constant 0 : i32
      %scan3A_87 = arith.constant 8 : i32
      %scan3A_88 = arith.addi %scan3A_86, %scan3A_87 : i32
      %scan3A_89 = arith.constant 1 : i32
      scf.for %scan3A_189 = %scan3A_86 to %scan3A_88 step %scan3A_89  : i32 {
        %mul3A_190 = arith.constant 1 : i32
        %mul3A_191 = arith.muli %scan3A_189, %mul3A_190 : i32
        %add3A_192 = arith.constant 0 : i32
        %add3A_193 = arith.addi %add3A_192, %mul3A_191 : i32
        %mul3A_194 = arith.constant 16 : i32
        %mul3A_195 = arith.muli %add3A_193, %mul3A_194 : i32
        %get3A_196 = arith.index_cast %mul3A_195 : i32 to index
        %get3A_197 = tpu.vector_load %arg13[%get3A_196] {strides = array<i32>} : memref<256xf32, #tpu.memory_space<vmem>>, vector<16xf32>,
        %mul3A_198 = arith.constant 16 : i32
        %mul3A_199 = arith.muli %add3A_193, %mul3A_198 : i32
        %add3A_200 = arith.constant 128 : i32
        %add3A_201 = arith.addi %add3A_200, %mul3A_199 : i32
        %get3A_202 = arith.index_cast %add3A_201 : i32 to index
        %get3A_203 = tpu.vector_load %arg13[%get3A_202] {strides = array<i32>} : memref<256xf32, #tpu.memory_space<vmem>>, vector<16xf32>,
        %scan3A_204 = arith.constant 0 : i32
        %scan3A_205 = arith.constant 5 : i32
        %scan3A_206 = arith.addi %scan3A_204, %scan3A_205 : i32
        %scan3A_207 = arith.constant 1 : i32
        %scan3A_208:4 = scf.for %scan3A_222 = %scan3A_204 to %scan3A_206 step %scan3A_207 iter_args(%scan3A_223 = %get3A_197, %scan3A_224 = %get3A_203, %scan3A_225 = %broadcast_in_dim3A_35, %scan3A_226 = %broadcast_in_dim3A_35) -> (vector<16xf32>, vector<16xf32>, vector<16xf32>, vector<16xf32>)  : i32 {
          %mul3A_227 = arith.constant 8 : i32
          %mul3A_228 = arith.muli %scan3A_222, %mul3A_227 : i32
          %add3A_229 = arith.constant 0 : i32
          %add3A_230 = arith.addi %mul3A_228, %add3A_229 : i32
          %mul3A_231 = arith.constant 16 : i32
          %mul3A_232 = arith.muli %add3A_193, %mul3A_231 : i32
          %get3A_233 = arith.index_cast %add3A_230 : i32 to index
          %get3A_234 = arith.index_cast %mul3A_232 : i32 to index
          %get3A_235 = tpu.vector_load %arg8[%get3A_233, %get3A_234] {strides = array<i32>} : memref<40x128xi32, #tpu.memory_space<vmem>>, vector<16xi32>,
          %gather3A = tpu.vector_load_idx %arg7[%get3A_235] : memref<102400xi32, #tpu.memory_space<vmem>>[vector<16xi32>], vector<16xi32>,
          %shift_left3A = arith.constant 16 : i32
          %shift_left3A_236 = vector.broadcast %shift_left3A : i32 to vector<16xi32>
          %shift_left3A_237 = arith.shli %gather3A, %shift_left3A_236 : vector<16xi32>
          %bitcast3A = vector.bitcast %shift_left3A_237 : vector<16xi32> to vector<16xf32>
          %and3A = arith.constant -65536 : i32
          %and3A_238 = vector.broadcast %and3A : i32 to vector<16xi32>
          %and3A_239 = arith.andi %gather3A, %and3A_238 : vector<16xi32>
          %bitcast3A_240 = vector.bitcast %and3A_239 : vector<16xi32> to vector<16xf32>
          %add3A_241 = arith.addf %scan3A_223, %bitcast3A : vector<16xf32>
          %add3A_242 = arith.addf %scan3A_224, %bitcast3A_240 : vector<16xf32>
          %mul3A_243 = arith.constant 8 : i32
          %mul3A_244 = arith.muli %scan3A_222, %mul3A_243 : i32
          %add3A_245 = arith.constant 1 : i32
          %add3A_246 = arith.addi %mul3A_244, %add3A_245 : i32
          %mul3A_247 = arith.constant 16 : i32
          %mul3A_248 = arith.muli %add3A_193, %mul3A_247 : i32
          %get3A_249 = arith.index_cast %add3A_246 : i32 to index
          %get3A_250 = arith.index_cast %mul3A_248 : i32 to index
          %get3A_251 = tpu.vector_load %arg8[%get3A_249, %get3A_250] {strides = array<i32>} : memref<40x128xi32, #tpu.memory_space<vmem>>, vector<16xi32>,
          %gather3A_252 = tpu.vector_load_idx %arg7[%get3A_251] : memref<102400xi32, #tpu.memory_space<vmem>>[vector<16xi32>], vector<16xi32>,
          %shift_left3A_253 = arith.constant 16 : i32
          %shift_left3A_254 = vector.broadcast %shift_left3A_253 : i32 to vector<16xi32>
          %shift_left3A_255 = arith.shli %gather3A_252, %shift_left3A_254 : vector<16xi32>
          %bitcast3A_256 = vector.bitcast %shift_left3A_255 : vector<16xi32> to vector<16xf32>
          %and3A_257 = arith.constant -65536 : i32
          %and3A_258 = vector.broadcast %and3A_257 : i32 to vector<16xi32>
          %and3A_259 = arith.andi %gather3A_252, %and3A_258 : vector<16xi32>
          %bitcast3A_260 = vector.bitcast %and3A_259 : vector<16xi32> to vector<16xf32>
          %add3A_261 = arith.addf %scan3A_225, %bitcast3A_256 : vector<16xf32>
          %add3A_262 = arith.addf %scan3A_226, %bitcast3A_260 : vector<16xf32>
          %mul3A_263 = arith.constant 8 : i32
          %mul3A_264 = arith.muli %scan3A_222, %mul3A_263 : i32
          %add3A_265 = arith.constant 2 : i32
          %add3A_266 = arith.addi %mul3A_264, %add3A_265 : i32
          %mul3A_267 = arith.constant 16 : i32
          %mul3A_268 = arith.muli %add3A_193, %mul3A_267 : i32
          %get3A_269 = arith.index_cast %add3A_266 : i32 to index
          %get3A_270 = arith.index_cast %mul3A_268 : i32 to index
          %get3A_271 = tpu.vector_load %arg8[%get3A_269, %get3A_270] {strides = array<i32>} : memref<40x128xi32, #tpu.memory_space<vmem>>, vector<16xi32>,
          %gather3A_272 = tpu.vector_load_idx %arg7[%get3A_271] : memref<102400xi32, #tpu.memory_space<vmem>>[vector<16xi32>], vector<16xi32>,
          %shift_left3A_273 = arith.constant 16 : i32
          %shift_left3A_274 = vector.broadcast %shift_left3A_273 : i32 to vector<16xi32>
          %shift_left3A_275 = arith.shli %gather3A_272, %shift_left3A_274 : vector<16xi32>
          %bitcast3A_276 = vector.bitcast %shift_left3A_275 : vector<16xi32> to vector<16xf32>
          %and3A_277 = arith.constant -65536 : i32
          %and3A_278 = vector.broadcast %and3A_277 : i32 to vector<16xi32>
          %and3A_279 = arith.andi %gather3A_272, %and3A_278 : vector<16xi32>
          %bitcast3A_280 = vector.bitcast %and3A_279 : vector<16xi32> to vector<16xf32>
          %add3A_281 = arith.addf %add3A_241, %bitcast3A_276 : vector<16xf32>
          %add3A_282 = arith.addf %add3A_242, %bitcast3A_280 : vector<16xf32>
          %mul3A_283 = arith.constant 8 : i32
          %mul3A_284 = arith.muli %scan3A_222, %mul3A_283 : i32
          %add3A_285 = arith.constant 3 : i32
          %add3A_286 = arith.addi %mul3A_284, %add3A_285 : i32
          %mul3A_287 = arith.constant 16 : i32
          %mul3A_288 = arith.muli %add3A_193, %mul3A_287 : i32
          %get3A_289 = arith.index_cast %add3A_286 : i32 to index
          %get3A_290 = arith.index_cast %mul3A_288 : i32 to index
          %get3A_291 = tpu.vector_load %arg8[%get3A_289, %get3A_290] {strides = array<i32>} : memref<40x128xi32, #tpu.memory_space<vmem>>, vector<16xi32>,
          %gather3A_292 = tpu.vector_load_idx %arg7[%get3A_291] : memref<102400xi32, #tpu.memory_space<vmem>>[vector<16xi32>], vector<16xi32>,
          %shift_left3A_293 = arith.constant 16 : i32
          %shift_left3A_294 = vector.broadcast %shift_left3A_293 : i32 to vector<16xi32>
          %shift_left3A_295 = arith.shli %gather3A_292, %shift_left3A_294 : vector<16xi32>
          %bitcast3A_296 = vector.bitcast %shift_left3A_295 : vector<16xi32> to vector<16xf32>
          %and3A_297 = arith.constant -65536 : i32
          %and3A_298 = vector.broadcast %and3A_297 : i32 to vector<16xi32>
          %and3A_299 = arith.andi %gather3A_292, %and3A_298 : vector<16xi32>
          %bitcast3A_300 = vector.bitcast %and3A_299 : vector<16xi32> to vector<16xf32>
          %add3A_301 = arith.addf %add3A_261, %bitcast3A_296 : vector<16xf32>
          %add3A_302 = arith.addf %add3A_262, %bitcast3A_300 : vector<16xf32>
          %mul3A_303 = arith.constant 8 : i32
          %mul3A_304 = arith.muli %scan3A_222, %mul3A_303 : i32
          %add3A_305 = arith.constant 4 : i32
          %add3A_306 = arith.addi %mul3A_304, %add3A_305 : i32
          %mul3A_307 = arith.constant 16 : i32
          %mul3A_308 = arith.muli %add3A_193, %mul3A_307 : i32
          %get3A_309 = arith.index_cast %add3A_306 : i32 to index
          %get3A_310 = arith.index_cast %mul3A_308 : i32 to index
          %get3A_311 = tpu.vector_load %arg8[%get3A_309, %get3A_310] {strides = array<i32>} : memref<40x128xi32, #tpu.memory_space<vmem>>, vector<16xi32>,
          %gather3A_312 = tpu.vector_load_idx %arg7[%get3A_311] : memref<102400xi32, #tpu.memory_space<vmem>>[vector<16xi32>], vector<16xi32>,
          %shift_left3A_313 = arith.constant 16 : i32
          %shift_left3A_314 = vector.broadcast %shift_left3A_313 : i32 to vector<16xi32>
          %shift_left3A_315 = arith.shli %gather3A_312, %shift_left3A_314 : vector<16xi32>
          %bitcast3A_316 = vector.bitcast %shift_left3A_315 : vector<16xi32> to vector<16xf32>
          %and3A_317 = arith.constant -65536 : i32
          %and3A_318 = vector.broadcast %and3A_317 : i32 to vector<16xi32>
          %and3A_319 = arith.andi %gather3A_312, %and3A_318 : vector<16xi32>
          %bitcast3A_320 = vector.bitcast %and3A_319 : vector<16xi32> to vector<16xf32>
          %add3A_321 = arith.addf %add3A_281, %bitcast3A_316 : vector<16xf32>
          %add3A_322 = arith.addf %add3A_282, %bitcast3A_320 : vector<16xf32>
          %mul3A_323 = arith.constant 8 : i32
          %mul3A_324 = arith.muli %scan3A_222, %mul3A_323 : i32
          %add3A_325 = arith.constant 5 : i32
          %add3A_326 = arith.addi %mul3A_324, %add3A_325 : i32
          %mul3A_327 = arith.constant 16 : i32
          %mul3A_328 = arith.muli %add3A_193, %mul3A_327 : i32
          %get3A_329 = arith.index_cast %add3A_326 : i32 to index
          %get3A_330 = arith.index_cast %mul3A_328 : i32 to index
          %get3A_331 = tpu.vector_load %arg8[%get3A_329, %get3A_330] {strides = array<i32>} : memref<40x128xi32, #tpu.memory_space<vmem>>, vector<16xi32>,
          %gather3A_332 = tpu.vector_load_idx %arg7[%get3A_331] : memref<102400xi32, #tpu.memory_space<vmem>>[vector<16xi32>], vector<16xi32>,
          %shift_left3A_333 = arith.constant 16 : i32
          %shift_left3A_334 = vector.broadcast %shift_left3A_333 : i32 to vector<16xi32>
          %shift_left3A_335 = arith.shli %gather3A_332, %shift_left3A_334 : vector<16xi32>
          %bitcast3A_336 = vector.bitcast %shift_left3A_335 : vector<16xi32> to vector<16xf32>
          %and3A_337 = arith.constant -65536 : i32
          %and3A_338 = vector.broadcast %and3A_337 : i32 to vector<16xi32>
          %and3A_339 = arith.andi %gather3A_332, %and3A_338 : vector<16xi32>
          %bitcast3A_340 = vector.bitcast %and3A_339 : vector<16xi32> to vector<16xf32>
          %add3A_341 = arith.addf %add3A_301, %bitcast3A_336 : vector<16xf32>
          %add3A_342 = arith.addf %add3A_302, %bitcast3A_340 : vector<16xf32>
          %mul3A_343 = arith.constant 8 : i32
          %mul3A_344 = arith.muli %scan3A_222, %mul3A_343 : i32
          %add3A_345 = arith.constant 6 : i32
          %add3A_346 = arith.addi %mul3A_344, %add3A_345 : i32
          %mul3A_347 = arith.constant 16 : i32
          %mul3A_348 = arith.muli %add3A_193, %mul3A_347 : i32
          %get3A_349 = arith.index_cast %add3A_346 : i32 to index
          %get3A_350 = arith.index_cast %mul3A_348 : i32 to index
          %get3A_351 = tpu.vector_load %arg8[%get3A_349, %get3A_350] {strides = array<i32>} : memref<40x128xi32, #tpu.memory_space<vmem>>, vector<16xi32>,
          %gather3A_352 = tpu.vector_load_idx %arg7[%get3A_351] : memref<102400xi32, #tpu.memory_space<vmem>>[vector<16xi32>], vector<16xi32>,
          %shift_left3A_353 = arith.constant 16 : i32
          %shift_left3A_354 = vector.broadcast %shift_left3A_353 : i32 to vector<16xi32>
          %shift_left3A_355 = arith.shli %gather3A_352, %shift_left3A_354 : vector<16xi32>
          %bitcast3A_356 = vector.bitcast %shift_left3A_355 : vector<16xi32> to vector<16xf32>
          %and3A_357 = arith.constant -65536 : i32
          %and3A_358 = vector.broadcast %and3A_357 : i32 to vector<16xi32>
          %and3A_359 = arith.andi %gather3A_352, %and3A_358 : vector<16xi32>
          %bitcast3A_360 = vector.bitcast %and3A_359 : vector<16xi32> to vector<16xf32>
          %add3A_361 = arith.addf %add3A_321, %bitcast3A_356 : vector<16xf32>
          %add3A_362 = arith.addf %add3A_322, %bitcast3A_360 : vector<16xf32>
          %mul3A_363 = arith.constant 8 : i32
          %mul3A_364 = arith.muli %scan3A_222, %mul3A_363 : i32
          %add3A_365 = arith.constant 7 : i32
          %add3A_366 = arith.addi %mul3A_364, %add3A_365 : i32
          %mul3A_367 = arith.constant 16 : i32
          %mul3A_368 = arith.muli %add3A_193, %mul3A_367 : i32
          %get3A_369 = arith.index_cast %add3A_366 : i32 to index
          %get3A_370 = arith.index_cast %mul3A_368 : i32 to index
          %get3A_371 = tpu.vector_load %arg8[%get3A_369, %get3A_370] {strides = array<i32>} : memref<40x128xi32, #tpu.memory_space<vmem>>, vector<16xi32>,
          %gather3A_372 = tpu.vector_load_idx %arg7[%get3A_371] : memref<102400xi32, #tpu.memory_space<vmem>>[vector<16xi32>], vector<16xi32>,
          %shift_left3A_373 = arith.constant 16 : i32
          %shift_left3A_374 = vector.broadcast %shift_left3A_373 : i32 to vector<16xi32>
          %shift_left3A_375 = arith.shli %gather3A_372, %shift_left3A_374 : vector<16xi32>
          %bitcast3A_376 = vector.bitcast %shift_left3A_375 : vector<16xi32> to vector<16xf32>
          %and3A_377 = arith.constant -65536 : i32
          %and3A_378 = vector.broadcast %and3A_377 : i32 to vector<16xi32>
          %and3A_379 = arith.andi %gather3A_372, %and3A_378 : vector<16xi32>
          %bitcast3A_380 = vector.bitcast %and3A_379 : vector<16xi32> to vector<16xf32>
          %add3A_381 = arith.addf %add3A_341, %bitcast3A_376 : vector<16xf32>
          %add3A_382 = arith.addf %add3A_342, %bitcast3A_380 : vector<16xf32>
          scf.yield %add3A_361, %add3A_362, %add3A_381, %add3A_382 : vector<16xf32>, vector<16xf32>, vector<16xf32>, vector<16xf32>
        }
        %scan3A_209 = arith.constant 5 : i32
        %add3A_210 = arith.addf %scan3A_208#0, %scan3A_208#2 : vector<16xf32>
        %mul3A_211 = arith.constant 16 : i32
        %mul3A_212 = arith.muli %add3A_193, %mul3A_211 : i32
        %swap3A_213 = arith.index_cast %mul3A_212 : i32 to index
        %swap3A_214 = tpu.vector_load %arg13[%swap3A_213] {strides = array<i32>} : memref<256xf32, #tpu.memory_space<vmem>>, vector<16xf32>,
        tpu.vector_store %arg13[%swap3A_213], %add3A_210 {strides = array<i32>} : memref<256xf32, #tpu.memory_space<vmem>>, vector<16xf32>,
        %add3A_215 = arith.addf %scan3A_208#1, %scan3A_208#3 : vector<16xf32>
        %mul3A_216 = arith.constant 16 : i32
        %mul3A_217 = arith.muli %add3A_193, %mul3A_216 : i32
        %add3A_218 = arith.constant 128 : i32
        %add3A_219 = arith.addi %add3A_218, %mul3A_217 : i32
        %swap3A_220 = arith.index_cast %add3A_219 : i32 to index
        %swap3A_221 = tpu.vector_load %arg13[%swap3A_220] {strides = array<i32>} : memref<256xf32, #tpu.memory_space<vmem>>, vector<16xf32>,
        tpu.vector_store %arg13[%swap3A_220], %add3A_215 {strides = array<i32>} : memref<256xf32, #tpu.memory_space<vmem>>, vector<16xf32>,
      }
      %scan3A_90 = arith.constant 8 : i32
      %add3A_91 = arith.constant 4 : i32
      %add3A_92 = arith.addi %add3A_78, %add3A_91 : i32
      %lt3A = arith.constant 20 : i32
      %lt3A_93 = arith.cmpi slt, %add3A_92, %lt3A : i32
      %convert_element_type3A_94 = arith.extui %lt3A_93 : i1 to i32
      %cond3A_95 = arith.constant 0 : i32
      %cond3A_96 = arith.cmpi ne, %convert_element_type3A_94, %cond3A_95 : i32
      scf.if %cond3A_96 {
        %jit3A = arith.constant 5 : i32
        %div3A_189 = arith.divsi %add3A_92, %jit3A : i32
        %sign3A = arith.constant 0 : i32
        %sign3A_190 = arith.cmpi sgt, %add3A_92, %sign3A : i32
        %sign3A_191 = arith.extui %sign3A_190 : i1 to i32
        %sign3A_192 = arith.constant 0 : i32
        %sign3A_193 = arith.cmpi slt, %add3A_92, %sign3A_192 : i32
        %sign3A_194 = arith.extui %sign3A_193 : i1 to i32
        %sign3A_195 = arith.subi %sign3A_191, %sign3A_194 : i32
        %sign3A_196 = arith.constant 0 : i32
        %sign3A_197 = arith.cmpi sgt, %jit3A, %sign3A_196 : i32
        %sign3A_198 = arith.extui %sign3A_197 : i1 to i32
        %sign3A_199 = arith.constant 0 : i32
        %sign3A_200 = arith.cmpi slt, %jit3A, %sign3A_199 : i32
        %sign3A_201 = arith.extui %sign3A_200 : i1 to i32
        %sign3A_202 = arith.subi %sign3A_198, %sign3A_201 : i32
        %ne3A = arith.cmpi ne, %sign3A_195, %sign3A_202 : i32
        %rem3A_203 = arith.remsi %add3A_92, %jit3A : i32
        %ne3A_204 = arith.constant 0 : i32
        %ne3A_205 = arith.cmpi ne, %rem3A_203, %ne3A_204 : i32
        %and3A = arith.andi %ne3A, %ne3A_205 : i1
        %sub3A = arith.constant 1 : i32
        %sub3A_206 = arith.subi %div3A_189, %sub3A : i32
        %select_n3A = arith.select %and3A, %sub3A_206, %div3A_189 : i32
        %mul3A_207 = arith.constant 128 : i32
        %mul3A_208 = arith.muli %select_n3A, %mul3A_207 : i32
        %add3A_209 = arith.addi %mul3A_2, %mul3A_208 : i32
        %jit3A_210 = arith.constant 5 : i32
        %eq3A_211 = arith.constant 0 : i32
        %eq3A_212 = arith.cmpi eq, %jit3A_210, %eq3A_211 : i32
        %jit3A_213 = arith.constant 1 : i32
        %select_n3A_214 = arith.select %eq3A_212, %jit3A_213, %jit3A_210 : i32
        %rem3A_215 = arith.remsi %add3A_92, %select_n3A_214 : i32
        %ne3A_216 = arith.constant 0 : i32
        %ne3A_217 = arith.cmpi ne, %rem3A_215, %ne3A_216 : i32
        %lt3A_218 = arith.constant 0 : i32
        %lt3A_219 = arith.cmpi slt, %rem3A_215, %lt3A_218 : i32
        %lt3A_220 = arith.constant 0 : i32
        %lt3A_221 = arith.cmpi slt, %select_n3A_214, %lt3A_220 : i32
        %ne3A_222 = arith.xori %lt3A_219, %lt3A_221 : i1
        %and3A_223 = arith.andi %ne3A_222, %ne3A_217 : i1
        %add3A_224 = arith.addi %rem3A_215, %select_n3A_214 : i32
        %select_n3A_225 = arith.select %and3A_223, %add3A_224, %rem3A_215 : i32
        %mul3A_226 = arith.constant 40 : i32
        %mul3A_227 = arith.muli %select_n3A_225, %mul3A_226 : i32
        %dma_start3A_228 = tpu.memref_slice %arg3[%mul3A_227, %add3A_209] : memref<200x16384xi32, #tpu.memory_space<hbm>> -> memref<40x128xi32, #tpu.memory_space<hbm>>
        %dma_start3A_229 = tpu.memref_slice %arg3[%mul3A_227, %add3A_209] : memref<200x16384xi32, #tpu.memory_space<hbm>> -> memref<40x128xi32, #tpu.memory_space<hbm>>
        tpu.enqueue_dma source(%dma_start3A_229 : memref<40x128xi32, #tpu.memory_space<hbm>>) target(%arg8 : memref<40x128xi32, #tpu.memory_space<vmem>>) target_semaphore(%arg15 : memref<!tpu.dma_semaphore, #tpu.memory_space<semaphore_mem>>)
      } else {
      }
      %eq3A_97 = arith.constant 4 : i32
      %eq3A_98 = arith.cmpi eq, %rem3A_84, %eq3A_97 : i32
      %convert_element_type3A_99 = arith.extui %eq3A_98 : i1 to i32
      %cond3A_100 = arith.constant 0 : i32
      %cond3A_101 = arith.cmpi ne, %convert_element_type3A_99, %cond3A_100 : i32
      scf.if %cond3A_101 {
        %scan3A_189 = arith.constant 0 : i32
        %scan3A_190 = arith.constant 8 : i32
        %scan3A_191 = arith.addi %scan3A_189, %scan3A_190 : i32
        %scan3A_192 = arith.constant 1 : i32
        scf.for %scan3A_194 = %scan3A_189 to %scan3A_191 step %scan3A_192  : i32 {
          %mul3A_195 = arith.constant 1 : i32
          %mul3A_196 = arith.muli %scan3A_194, %mul3A_195 : i32
          %add3A_197 = arith.constant 0 : i32
          %add3A_198 = arith.addi %add3A_197, %mul3A_196 : i32
          %mul3A_199 = arith.constant 16 : i32
          %mul3A_200 = arith.muli %add3A_198, %mul3A_199 : i32
          %get3A_201 = arith.index_cast %mul3A_200 : i32 to index
          %get3A_202 = tpu.vector_load %arg13[%get3A_201] {strides = array<i32>} : memref<256xf32, #tpu.memory_space<vmem>>, vector<16xf32>,
          %mul3A_203 = arith.constant 16 : i32
          %mul3A_204 = arith.muli %add3A_198, %mul3A_203 : i32
          %add3A_205 = arith.constant 128 : i32
          %add3A_206 = arith.addi %add3A_205, %mul3A_204 : i32
          %get3A_207 = arith.index_cast %add3A_206 : i32 to index
          %get3A_208 = tpu.vector_load %arg13[%get3A_207] {strides = array<i32>} : memref<256xf32, #tpu.memory_space<vmem>>, vector<16xf32>,
          %mul3A_209 = arith.constant 128 : i32
          %mul3A_210 = arith.muli %div3A_85, %mul3A_209 : i32
          %mul3A_211 = arith.constant 16 : i32
          %mul3A_212 = arith.muli %add3A_198, %mul3A_211 : i32
          %add3A_213 = arith.addi %mul3A_210, %mul3A_212 : i32
          %mul3A_214 = vector.broadcast %scan3A : f32 to vector<16xf32>
          %mul3A_215 = arith.mulf %get3A_202, %mul3A_214 : vector<16xf32>
          %add3A_216 = arith.addf %mul3A_215, %get3A_30 : vector<16xf32>
          %swap3A_217 = arith.constant 0 : i32
          %swap3A_218 = arith.index_cast %swap3A_217 : i32 to index
          %swap3A_219 = arith.index_cast %add3A_213 : i32 to index
          %swap3A_220 = tpu.vector_load %arg12[%swap3A_218, %swap3A_219] {strides = array<i32>} : memref<2x512xf32, #tpu.memory_space<vmem>>, vector<16xf32>,
          tpu.vector_store %arg12[%swap3A_218, %swap3A_219], %add3A_216 {strides = array<i32>} : memref<2x512xf32, #tpu.memory_space<vmem>>, vector<16xf32>,
          %mul3A_221 = vector.broadcast %scan3A : f32 to vector<16xf32>
          %mul3A_222 = arith.mulf %get3A_208, %mul3A_221 : vector<16xf32>
          %add3A_223 = arith.addf %mul3A_222, %get3A_34 : vector<16xf32>
          %swap3A_224 = arith.constant 1 : i32
          %swap3A_225 = arith.index_cast %swap3A_224 : i32 to index
          %swap3A_226 = arith.index_cast %add3A_213 : i32 to index
          %swap3A_227 = tpu.vector_load %arg12[%swap3A_225, %swap3A_226] {strides = array<i32>} : memref<2x512xf32, #tpu.memory_space<vmem>>, vector<16xf32>,
          tpu.vector_store %arg12[%swap3A_225, %swap3A_226], %add3A_223 {strides = array<i32>} : memref<2x512xf32, #tpu.memory_space<vmem>>, vector<16xf32>,
          %mul3A_228 = arith.constant 16 : i32
          %mul3A_229 = arith.muli %add3A_198, %mul3A_228 : i32
          %swap3A_230 = arith.index_cast %mul3A_229 : i32 to index
          %swap3A_231 = tpu.vector_load %arg13[%swap3A_230] {strides = array<i32>} : memref<256xf32, #tpu.memory_space<vmem>>, vector<16xf32>,
          tpu.vector_store %arg13[%swap3A_230], %broadcast_in_dim3A_35 {strides = array<i32>} : memref<256xf32, #tpu.memory_space<vmem>>, vector<16xf32>,
          %mul3A_232 = arith.constant 16 : i32
          %mul3A_233 = arith.muli %add3A_198, %mul3A_232 : i32
          %add3A_234 = arith.constant 128 : i32
          %add3A_235 = arith.addi %add3A_234, %mul3A_233 : i32
          %swap3A_236 = arith.index_cast %add3A_235 : i32 to index
          %swap3A_237 = tpu.vector_load %arg13[%swap3A_236] {strides = array<i32>} : memref<256xf32, #tpu.memory_space<vmem>>, vector<16xf32>,
          tpu.vector_store %arg13[%swap3A_236], %broadcast_in_dim3A_35 {strides = array<i32>} : memref<256xf32, #tpu.memory_space<vmem>>, vector<16xf32>,
        }
        %scan3A_193 = arith.constant 8 : i32
      } else {
      }
      %add3A_102 = arith.constant 1 : i32
      %add3A_103 = arith.addi %add3A_76, %add3A_102 : i32
      %dma_wait3A_104 = arith.constant 0 : i32
      %dma_wait3A_105 = arith.constant 0 : i32
      %dma_wait3A_106 = tpu.memref_slice %arg3[%dma_wait3A_104, %dma_wait3A_105] : memref<200x16384xi32, #tpu.memory_space<hbm>> -> memref<40x128xi32, #tpu.memory_space<hbm>>
      %dma_wait3A_107 = arith.constant 0 : i32
      %dma_wait3A_108 = arith.constant 0 : i32
      %dma_wait3A_109 = tpu.memref_slice %arg3[%dma_wait3A_107, %dma_wait3A_108] : memref<200x16384xi32, #tpu.memory_space<hbm>> -> memref<40x128xi32, #tpu.memory_space<hbm>>
      tpu.wait_dma2 semaphore(%arg16 : memref<!tpu.dma_semaphore, #tpu.memory_space<semaphore_mem>>) src(%dma_wait3A_109 : memref<40x128xi32, #tpu.memory_space<hbm>>) dst(%arg9 : memref<40x128xi32, #tpu.memory_space<vmem>>)
      %rem3A_110 = arith.constant 5 : i32
      %rem3A_111 = arith.remsi %add3A_103, %rem3A_110 : i32
      %div3A_112 = arith.constant 5 : i32
      %div3A_113 = arith.divsi %add3A_103, %div3A_112 : i32
      %scan3A_114 = arith.constant 0 : i32
      %scan3A_115 = arith.constant 8 : i32
      %scan3A_116 = arith.addi %scan3A_114, %scan3A_115 : i32
      %scan3A_117 = arith.constant 1 : i32
      scf.for %scan3A_189 = %scan3A_114 to %scan3A_116 step %scan3A_117  : i32 {
        %mul3A_190 = arith.constant 1 : i32
        %mul3A_191 = arith.muli %scan3A_189, %mul3A_190 : i32
        %add3A_192 = arith.constant 0 : i32
        %add3A_193 = arith.addi %add3A_192, %mul3A_191 : i32
        %mul3A_194 = arith.constant 16 : i32
        %mul3A_195 = arith.muli %add3A_193, %mul3A_194 : i32
        %get3A_196 = arith.index_cast %mul3A_195 : i32 to index
        %get3A_197 = tpu.vector_load %arg13[%get3A_196] {strides = array<i32>} : memref<256xf32, #tpu.memory_space<vmem>>, vector<16xf32>,
        %mul3A_198 = arith.constant 16 : i32
        %mul3A_199 = arith.muli %add3A_193, %mul3A_198 : i32
        %add3A_200 = arith.constant 128 : i32
        %add3A_201 = arith.addi %add3A_200, %mul3A_199 : i32
        %get3A_202 = arith.index_cast %add3A_201 : i32 to index
        %get3A_203 = tpu.vector_load %arg13[%get3A_202] {strides = array<i32>} : memref<256xf32, #tpu.memory_space<vmem>>, vector<16xf32>,
        %scan3A_204 = arith.constant 0 : i32
        %scan3A_205 = arith.constant 5 : i32
        %scan3A_206 = arith.addi %scan3A_204, %scan3A_205 : i32
        %scan3A_207 = arith.constant 1 : i32
        %scan3A_208:4 = scf.for %scan3A_222 = %scan3A_204 to %scan3A_206 step %scan3A_207 iter_args(%scan3A_223 = %get3A_197, %scan3A_224 = %get3A_203, %scan3A_225 = %broadcast_in_dim3A_35, %scan3A_226 = %broadcast_in_dim3A_35) -> (vector<16xf32>, vector<16xf32>, vector<16xf32>, vector<16xf32>)  : i32 {
          %mul3A_227 = arith.constant 8 : i32
          %mul3A_228 = arith.muli %scan3A_222, %mul3A_227 : i32
          %add3A_229 = arith.constant 0 : i32
          %add3A_230 = arith.addi %mul3A_228, %add3A_229 : i32
          %mul3A_231 = arith.constant 16 : i32
          %mul3A_232 = arith.muli %add3A_193, %mul3A_231 : i32
          %get3A_233 = arith.index_cast %add3A_230 : i32 to index
          %get3A_234 = arith.index_cast %mul3A_232 : i32 to index
          %get3A_235 = tpu.vector_load %arg9[%get3A_233, %get3A_234] {strides = array<i32>} : memref<40x128xi32, #tpu.memory_space<vmem>>, vector<16xi32>,
          %gather3A = tpu.vector_load_idx %arg7[%get3A_235] : memref<102400xi32, #tpu.memory_space<vmem>>[vector<16xi32>], vector<16xi32>,
          %shift_left3A = arith.constant 16 : i32
          %shift_left3A_236 = vector.broadcast %shift_left3A : i32 to vector<16xi32>
          %shift_left3A_237 = arith.shli %gather3A, %shift_left3A_236 : vector<16xi32>
          %bitcast3A = vector.bitcast %shift_left3A_237 : vector<16xi32> to vector<16xf32>
          %and3A = arith.constant -65536 : i32
          %and3A_238 = vector.broadcast %and3A : i32 to vector<16xi32>
          %and3A_239 = arith.andi %gather3A, %and3A_238 : vector<16xi32>
          %bitcast3A_240 = vector.bitcast %and3A_239 : vector<16xi32> to vector<16xf32>
          %add3A_241 = arith.addf %scan3A_223, %bitcast3A : vector<16xf32>
          %add3A_242 = arith.addf %scan3A_224, %bitcast3A_240 : vector<16xf32>
          %mul3A_243 = arith.constant 8 : i32
          %mul3A_244 = arith.muli %scan3A_222, %mul3A_243 : i32
          %add3A_245 = arith.constant 1 : i32
          %add3A_246 = arith.addi %mul3A_244, %add3A_245 : i32
          %mul3A_247 = arith.constant 16 : i32
          %mul3A_248 = arith.muli %add3A_193, %mul3A_247 : i32
          %get3A_249 = arith.index_cast %add3A_246 : i32 to index
          %get3A_250 = arith.index_cast %mul3A_248 : i32 to index
          %get3A_251 = tpu.vector_load %arg9[%get3A_249, %get3A_250] {strides = array<i32>} : memref<40x128xi32, #tpu.memory_space<vmem>>, vector<16xi32>,
          %gather3A_252 = tpu.vector_load_idx %arg7[%get3A_251] : memref<102400xi32, #tpu.memory_space<vmem>>[vector<16xi32>], vector<16xi32>,
          %shift_left3A_253 = arith.constant 16 : i32
          %shift_left3A_254 = vector.broadcast %shift_left3A_253 : i32 to vector<16xi32>
          %shift_left3A_255 = arith.shli %gather3A_252, %shift_left3A_254 : vector<16xi32>
          %bitcast3A_256 = vector.bitcast %shift_left3A_255 : vector<16xi32> to vector<16xf32>
          %and3A_257 = arith.constant -65536 : i32
          %and3A_258 = vector.broadcast %and3A_257 : i32 to vector<16xi32>
          %and3A_259 = arith.andi %gather3A_252, %and3A_258 : vector<16xi32>
          %bitcast3A_260 = vector.bitcast %and3A_259 : vector<16xi32> to vector<16xf32>
          %add3A_261 = arith.addf %scan3A_225, %bitcast3A_256 : vector<16xf32>
          %add3A_262 = arith.addf %scan3A_226, %bitcast3A_260 : vector<16xf32>
          %mul3A_263 = arith.constant 8 : i32
          %mul3A_264 = arith.muli %scan3A_222, %mul3A_263 : i32
          %add3A_265 = arith.constant 2 : i32
          %add3A_266 = arith.addi %mul3A_264, %add3A_265 : i32
          %mul3A_267 = arith.constant 16 : i32
          %mul3A_268 = arith.muli %add3A_193, %mul3A_267 : i32
          %get3A_269 = arith.index_cast %add3A_266 : i32 to index
          %get3A_270 = arith.index_cast %mul3A_268 : i32 to index
          %get3A_271 = tpu.vector_load %arg9[%get3A_269, %get3A_270] {strides = array<i32>} : memref<40x128xi32, #tpu.memory_space<vmem>>, vector<16xi32>,
          %gather3A_272 = tpu.vector_load_idx %arg7[%get3A_271] : memref<102400xi32, #tpu.memory_space<vmem>>[vector<16xi32>], vector<16xi32>,
          %shift_left3A_273 = arith.constant 16 : i32
          %shift_left3A_274 = vector.broadcast %shift_left3A_273 : i32 to vector<16xi32>
          %shift_left3A_275 = arith.shli %gather3A_272, %shift_left3A_274 : vector<16xi32>
          %bitcast3A_276 = vector.bitcast %shift_left3A_275 : vector<16xi32> to vector<16xf32>
          %and3A_277 = arith.constant -65536 : i32
          %and3A_278 = vector.broadcast %and3A_277 : i32 to vector<16xi32>
          %and3A_279 = arith.andi %gather3A_272, %and3A_278 : vector<16xi32>
          %bitcast3A_280 = vector.bitcast %and3A_279 : vector<16xi32> to vector<16xf32>
          %add3A_281 = arith.addf %add3A_241, %bitcast3A_276 : vector<16xf32>
          %add3A_282 = arith.addf %add3A_242, %bitcast3A_280 : vector<16xf32>
          %mul3A_283 = arith.constant 8 : i32
          %mul3A_284 = arith.muli %scan3A_222, %mul3A_283 : i32
          %add3A_285 = arith.constant 3 : i32
          %add3A_286 = arith.addi %mul3A_284, %add3A_285 : i32
          %mul3A_287 = arith.constant 16 : i32
          %mul3A_288 = arith.muli %add3A_193, %mul3A_287 : i32
          %get3A_289 = arith.index_cast %add3A_286 : i32 to index
          %get3A_290 = arith.index_cast %mul3A_288 : i32 to index
          %get3A_291 = tpu.vector_load %arg9[%get3A_289, %get3A_290] {strides = array<i32>} : memref<40x128xi32, #tpu.memory_space<vmem>>, vector<16xi32>,
          %gather3A_292 = tpu.vector_load_idx %arg7[%get3A_291] : memref<102400xi32, #tpu.memory_space<vmem>>[vector<16xi32>], vector<16xi32>,
          %shift_left3A_293 = arith.constant 16 : i32
          %shift_left3A_294 = vector.broadcast %shift_left3A_293 : i32 to vector<16xi32>
          %shift_left3A_295 = arith.shli %gather3A_292, %shift_left3A_294 : vector<16xi32>
          %bitcast3A_296 = vector.bitcast %shift_left3A_295 : vector<16xi32> to vector<16xf32>
          %and3A_297 = arith.constant -65536 : i32
          %and3A_298 = vector.broadcast %and3A_297 : i32 to vector<16xi32>
          %and3A_299 = arith.andi %gather3A_292, %and3A_298 : vector<16xi32>
          %bitcast3A_300 = vector.bitcast %and3A_299 : vector<16xi32> to vector<16xf32>
          %add3A_301 = arith.addf %add3A_261, %bitcast3A_296 : vector<16xf32>
          %add3A_302 = arith.addf %add3A_262, %bitcast3A_300 : vector<16xf32>
          %mul3A_303 = arith.constant 8 : i32
          %mul3A_304 = arith.muli %scan3A_222, %mul3A_303 : i32
          %add3A_305 = arith.constant 4 : i32
          %add3A_306 = arith.addi %mul3A_304, %add3A_305 : i32
          %mul3A_307 = arith.constant 16 : i32
          %mul3A_308 = arith.muli %add3A_193, %mul3A_307 : i32
          %get3A_309 = arith.index_cast %add3A_306 : i32 to index
          %get3A_310 = arith.index_cast %mul3A_308 : i32 to index
          %get3A_311 = tpu.vector_load %arg9[%get3A_309, %get3A_310] {strides = array<i32>} : memref<40x128xi32, #tpu.memory_space<vmem>>, vector<16xi32>,
          %gather3A_312 = tpu.vector_load_idx %arg7[%get3A_311] : memref<102400xi32, #tpu.memory_space<vmem>>[vector<16xi32>], vector<16xi32>,
          %shift_left3A_313 = arith.constant 16 : i32
          %shift_left3A_314 = vector.broadcast %shift_left3A_313 : i32 to vector<16xi32>
          %shift_left3A_315 = arith.shli %gather3A_312, %shift_left3A_314 : vector<16xi32>
          %bitcast3A_316 = vector.bitcast %shift_left3A_315 : vector<16xi32> to vector<16xf32>
          %and3A_317 = arith.constant -65536 : i32
          %and3A_318 = vector.broadcast %and3A_317 : i32 to vector<16xi32>
          %and3A_319 = arith.andi %gather3A_312, %and3A_318 : vector<16xi32>
          %bitcast3A_320 = vector.bitcast %and3A_319 : vector<16xi32> to vector<16xf32>
          %add3A_321 = arith.addf %add3A_281, %bitcast3A_316 : vector<16xf32>
          %add3A_322 = arith.addf %add3A_282, %bitcast3A_320 : vector<16xf32>
          %mul3A_323 = arith.constant 8 : i32
          %mul3A_324 = arith.muli %scan3A_222, %mul3A_323 : i32
          %add3A_325 = arith.constant 5 : i32
          %add3A_326 = arith.addi %mul3A_324, %add3A_325 : i32
          %mul3A_327 = arith.constant 16 : i32
          %mul3A_328 = arith.muli %add3A_193, %mul3A_327 : i32
          %get3A_329 = arith.index_cast %add3A_326 : i32 to index
          %get3A_330 = arith.index_cast %mul3A_328 : i32 to index
          %get3A_331 = tpu.vector_load %arg9[%get3A_329, %get3A_330] {strides = array<i32>} : memref<40x128xi32, #tpu.memory_space<vmem>>, vector<16xi32>,
          %gather3A_332 = tpu.vector_load_idx %arg7[%get3A_331] : memref<102400xi32, #tpu.memory_space<vmem>>[vector<16xi32>], vector<16xi32>,
          %shift_left3A_333 = arith.constant 16 : i32
          %shift_left3A_334 = vector.broadcast %shift_left3A_333 : i32 to vector<16xi32>
          %shift_left3A_335 = arith.shli %gather3A_332, %shift_left3A_334 : vector<16xi32>
          %bitcast3A_336 = vector.bitcast %shift_left3A_335 : vector<16xi32> to vector<16xf32>
          %and3A_337 = arith.constant -65536 : i32
          %and3A_338 = vector.broadcast %and3A_337 : i32 to vector<16xi32>
          %and3A_339 = arith.andi %gather3A_332, %and3A_338 : vector<16xi32>
          %bitcast3A_340 = vector.bitcast %and3A_339 : vector<16xi32> to vector<16xf32>
          %add3A_341 = arith.addf %add3A_301, %bitcast3A_336 : vector<16xf32>
          %add3A_342 = arith.addf %add3A_302, %bitcast3A_340 : vector<16xf32>
          %mul3A_343 = arith.constant 8 : i32
          %mul3A_344 = arith.muli %scan3A_222, %mul3A_343 : i32
          %add3A_345 = arith.constant 6 : i32
          %add3A_346 = arith.addi %mul3A_344, %add3A_345 : i32
          %mul3A_347 = arith.constant 16 : i32
          %mul3A_348 = arith.muli %add3A_193, %mul3A_347 : i32
          %get3A_349 = arith.index_cast %add3A_346 : i32 to index
          %get3A_350 = arith.index_cast %mul3A_348 : i32 to index
          %get3A_351 = tpu.vector_load %arg9[%get3A_349, %get3A_350] {strides = array<i32>} : memref<40x128xi32, #tpu.memory_space<vmem>>, vector<16xi32>,
          %gather3A_352 = tpu.vector_load_idx %arg7[%get3A_351] : memref<102400xi32, #tpu.memory_space<vmem>>[vector<16xi32>], vector<16xi32>,
          %shift_left3A_353 = arith.constant 16 : i32
          %shift_left3A_354 = vector.broadcast %shift_left3A_353 : i32 to vector<16xi32>
          %shift_left3A_355 = arith.shli %gather3A_352, %shift_left3A_354 : vector<16xi32>
          %bitcast3A_356 = vector.bitcast %shift_left3A_355 : vector<16xi32> to vector<16xf32>
          %and3A_357 = arith.constant -65536 : i32
          %and3A_358 = vector.broadcast %and3A_357 : i32 to vector<16xi32>
          %and3A_359 = arith.andi %gather3A_352, %and3A_358 : vector<16xi32>
          %bitcast3A_360 = vector.bitcast %and3A_359 : vector<16xi32> to vector<16xf32>
          %add3A_361 = arith.addf %add3A_321, %bitcast3A_356 : vector<16xf32>
          %add3A_362 = arith.addf %add3A_322, %bitcast3A_360 : vector<16xf32>
          %mul3A_363 = arith.constant 8 : i32
          %mul3A_364 = arith.muli %scan3A_222, %mul3A_363 : i32
          %add3A_365 = arith.constant 7 : i32
          %add3A_366 = arith.addi %mul3A_364, %add3A_365 : i32
          %mul3A_367 = arith.constant 16 : i32
          %mul3A_368 = arith.muli %add3A_193, %mul3A_367 : i32
          %get3A_369 = arith.index_cast %add3A_366 : i32 to index
          %get3A_370 = arith.index_cast %mul3A_368 : i32 to index
          %get3A_371 = tpu.vector_load %arg9[%get3A_369, %get3A_370] {strides = array<i32>} : memref<40x128xi32, #tpu.memory_space<vmem>>, vector<16xi32>,
          %gather3A_372 = tpu.vector_load_idx %arg7[%get3A_371] : memref<102400xi32, #tpu.memory_space<vmem>>[vector<16xi32>], vector<16xi32>,
          %shift_left3A_373 = arith.constant 16 : i32
          %shift_left3A_374 = vector.broadcast %shift_left3A_373 : i32 to vector<16xi32>
          %shift_left3A_375 = arith.shli %gather3A_372, %shift_left3A_374 : vector<16xi32>
          %bitcast3A_376 = vector.bitcast %shift_left3A_375 : vector<16xi32> to vector<16xf32>
          %and3A_377 = arith.constant -65536 : i32
          %and3A_378 = vector.broadcast %and3A_377 : i32 to vector<16xi32>
          %and3A_379 = arith.andi %gather3A_372, %and3A_378 : vector<16xi32>
          %bitcast3A_380 = vector.bitcast %and3A_379 : vector<16xi32> to vector<16xf32>
          %add3A_381 = arith.addf %add3A_341, %bitcast3A_376 : vector<16xf32>
          %add3A_382 = arith.addf %add3A_342, %bitcast3A_380 : vector<16xf32>
          scf.yield %add3A_361, %add3A_362, %add3A_381, %add3A_382 : vector<16xf32>, vector<16xf32>, vector<16xf32>, vector<16xf32>
        }
        %scan3A_209 = arith.constant 5 : i32
        %add3A_210 = arith.addf %scan3A_208#0, %scan3A_208#2 : vector<16xf32>
        %mul3A_211 = arith.constant 16 : i32
        %mul3A_212 = arith.muli %add3A_193, %mul3A_211 : i32
        %swap3A_213 = arith.index_cast %mul3A_212 : i32 to index
        %swap3A_214 = tpu.vector_load %arg13[%swap3A_213] {strides = array<i32>} : memref<256xf32, #tpu.memory_space<vmem>>, vector<16xf32>,
        tpu.vector_store %arg13[%swap3A_213], %add3A_210 {strides = array<i32>} : memref<256xf32, #tpu.memory_space<vmem>>, vector<16xf32>,
        %add3A_215 = arith.addf %scan3A_208#1, %scan3A_208#3 : vector<16xf32>
        %mul3A_216 = arith.constant 16 : i32
        %mul3A_217 = arith.muli %add3A_193, %mul3A_216 : i32
        %add3A_218 = arith.constant 128 : i32
        %add3A_219 = arith.addi %add3A_218, %mul3A_217 : i32
        %swap3A_220 = arith.index_cast %add3A_219 : i32 to index
        %swap3A_221 = tpu.vector_load %arg13[%swap3A_220] {strides = array<i32>} : memref<256xf32, #tpu.memory_space<vmem>>, vector<16xf32>,
        tpu.vector_store %arg13[%swap3A_220], %add3A_215 {strides = array<i32>} : memref<256xf32, #tpu.memory_space<vmem>>, vector<16xf32>,
      }
      %scan3A_118 = arith.constant 8 : i32
      %add3A_119 = arith.constant 4 : i32
      %add3A_120 = arith.addi %add3A_103, %add3A_119 : i32
      %lt3A_121 = arith.constant 20 : i32
      %lt3A_122 = arith.cmpi slt, %add3A_120, %lt3A_121 : i32
      %convert_element_type3A_123 = arith.extui %lt3A_122 : i1 to i32
      %cond3A_124 = arith.constant 0 : i32
      %cond3A_125 = arith.cmpi ne, %convert_element_type3A_123, %cond3A_124 : i32
      scf.if %cond3A_125 {
        %jit3A = arith.constant 5 : i32
        %div3A_189 = arith.divsi %add3A_120, %jit3A : i32
        %sign3A = arith.constant 0 : i32
        %sign3A_190 = arith.cmpi sgt, %add3A_120, %sign3A : i32
        %sign3A_191 = arith.extui %sign3A_190 : i1 to i32
        %sign3A_192 = arith.constant 0 : i32
        %sign3A_193 = arith.cmpi slt, %add3A_120, %sign3A_192 : i32
        %sign3A_194 = arith.extui %sign3A_193 : i1 to i32
        %sign3A_195 = arith.subi %sign3A_191, %sign3A_194 : i32
        %sign3A_196 = arith.constant 0 : i32
        %sign3A_197 = arith.cmpi sgt, %jit3A, %sign3A_196 : i32
        %sign3A_198 = arith.extui %sign3A_197 : i1 to i32
        %sign3A_199 = arith.constant 0 : i32
        %sign3A_200 = arith.cmpi slt, %jit3A, %sign3A_199 : i32
        %sign3A_201 = arith.extui %sign3A_200 : i1 to i32
        %sign3A_202 = arith.subi %sign3A_198, %sign3A_201 : i32
        %ne3A = arith.cmpi ne, %sign3A_195, %sign3A_202 : i32
        %rem3A_203 = arith.remsi %add3A_120, %jit3A : i32
        %ne3A_204 = arith.constant 0 : i32
        %ne3A_205 = arith.cmpi ne, %rem3A_203, %ne3A_204 : i32
        %and3A = arith.andi %ne3A, %ne3A_205 : i1
        %sub3A = arith.constant 1 : i32
        %sub3A_206 = arith.subi %div3A_189, %sub3A : i32
        %select_n3A = arith.select %and3A, %sub3A_206, %div3A_189 : i32
        %mul3A_207 = arith.constant 128 : i32
        %mul3A_208 = arith.muli %select_n3A, %mul3A_207 : i32
        %add3A_209 = arith.addi %mul3A_2, %mul3A_208 : i32
        %jit3A_210 = arith.constant 5 : i32
        %eq3A_211 = arith.constant 0 : i32
        %eq3A_212 = arith.cmpi eq, %jit3A_210, %eq3A_211 : i32
        %jit3A_213 = arith.constant 1 : i32
        %select_n3A_214 = arith.select %eq3A_212, %jit3A_213, %jit3A_210 : i32
        %rem3A_215 = arith.remsi %add3A_120, %select_n3A_214 : i32
        %ne3A_216 = arith.constant 0 : i32
        %ne3A_217 = arith.cmpi ne, %rem3A_215, %ne3A_216 : i32
        %lt3A_218 = arith.constant 0 : i32
        %lt3A_219 = arith.cmpi slt, %rem3A_215, %lt3A_218 : i32
        %lt3A_220 = arith.constant 0 : i32
        %lt3A_221 = arith.cmpi slt, %select_n3A_214, %lt3A_220 : i32
        %ne3A_222 = arith.xori %lt3A_219, %lt3A_221 : i1
        %and3A_223 = arith.andi %ne3A_222, %ne3A_217 : i1
        %add3A_224 = arith.addi %rem3A_215, %select_n3A_214 : i32
        %select_n3A_225 = arith.select %and3A_223, %add3A_224, %rem3A_215 : i32
        %mul3A_226 = arith.constant 40 : i32
        %mul3A_227 = arith.muli %select_n3A_225, %mul3A_226 : i32
        %dma_start3A_228 = tpu.memref_slice %arg3[%mul3A_227, %add3A_209] : memref<200x16384xi32, #tpu.memory_space<hbm>> -> memref<40x128xi32, #tpu.memory_space<hbm>>
        %dma_start3A_229 = tpu.memref_slice %arg3[%mul3A_227, %add3A_209] : memref<200x16384xi32, #tpu.memory_space<hbm>> -> memref<40x128xi32, #tpu.memory_space<hbm>>
        tpu.enqueue_dma source(%dma_start3A_229 : memref<40x128xi32, #tpu.memory_space<hbm>>) target(%arg9 : memref<40x128xi32, #tpu.memory_space<vmem>>) target_semaphore(%arg16 : memref<!tpu.dma_semaphore, #tpu.memory_space<semaphore_mem>>)
      } else {
      }
      %eq3A_126 = arith.constant 4 : i32
      %eq3A_127 = arith.cmpi eq, %rem3A_111, %eq3A_126 : i32
      %convert_element_type3A_128 = arith.extui %eq3A_127 : i1 to i32
      %cond3A_129 = arith.constant 0 : i32
      %cond3A_130 = arith.cmpi ne, %convert_element_type3A_128, %cond3A_129 : i32
      scf.if %cond3A_130 {
        %scan3A_189 = arith.constant 0 : i32
        %scan3A_190 = arith.constant 8 : i32
        %scan3A_191 = arith.addi %scan3A_189, %scan3A_190 : i32
        %scan3A_192 = arith.constant 1 : i32
        scf.for %scan3A_194 = %scan3A_189 to %scan3A_191 step %scan3A_192  : i32 {
          %mul3A_195 = arith.constant 1 : i32
          %mul3A_196 = arith.muli %scan3A_194, %mul3A_195 : i32
          %add3A_197 = arith.constant 0 : i32
          %add3A_198 = arith.addi %add3A_197, %mul3A_196 : i32
          %mul3A_199 = arith.constant 16 : i32
          %mul3A_200 = arith.muli %add3A_198, %mul3A_199 : i32
          %get3A_201 = arith.index_cast %mul3A_200 : i32 to index
          %get3A_202 = tpu.vector_load %arg13[%get3A_201] {strides = array<i32>} : memref<256xf32, #tpu.memory_space<vmem>>, vector<16xf32>,
          %mul3A_203 = arith.constant 16 : i32
          %mul3A_204 = arith.muli %add3A_198, %mul3A_203 : i32
          %add3A_205 = arith.constant 128 : i32
          %add3A_206 = arith.addi %add3A_205, %mul3A_204 : i32
          %get3A_207 = arith.index_cast %add3A_206 : i32 to index
          %get3A_208 = tpu.vector_load %arg13[%get3A_207] {strides = array<i32>} : memref<256xf32, #tpu.memory_space<vmem>>, vector<16xf32>,
          %mul3A_209 = arith.constant 128 : i32
          %mul3A_210 = arith.muli %div3A_113, %mul3A_209 : i32
          %mul3A_211 = arith.constant 16 : i32
          %mul3A_212 = arith.muli %add3A_198, %mul3A_211 : i32
          %add3A_213 = arith.addi %mul3A_210, %mul3A_212 : i32
          %mul3A_214 = vector.broadcast %scan3A : f32 to vector<16xf32>
          %mul3A_215 = arith.mulf %get3A_202, %mul3A_214 : vector<16xf32>
          %add3A_216 = arith.addf %mul3A_215, %get3A_30 : vector<16xf32>
          %swap3A_217 = arith.constant 0 : i32
          %swap3A_218 = arith.index_cast %swap3A_217 : i32 to index
          %swap3A_219 = arith.index_cast %add3A_213 : i32 to index
          %swap3A_220 = tpu.vector_load %arg12[%swap3A_218, %swap3A_219] {strides = array<i32>} : memref<2x512xf32, #tpu.memory_space<vmem>>, vector<16xf32>,
          tpu.vector_store %arg12[%swap3A_218, %swap3A_219], %add3A_216 {strides = array<i32>} : memref<2x512xf32, #tpu.memory_space<vmem>>, vector<16xf32>,
          %mul3A_221 = vector.broadcast %scan3A : f32 to vector<16xf32>
          %mul3A_222 = arith.mulf %get3A_208, %mul3A_221 : vector<16xf32>
          %add3A_223 = arith.addf %mul3A_222, %get3A_34 : vector<16xf32>
          %swap3A_224 = arith.constant 1 : i32
          %swap3A_225 = arith.index_cast %swap3A_224 : i32 to index
          %swap3A_226 = arith.index_cast %add3A_213 : i32 to index
          %swap3A_227 = tpu.vector_load %arg12[%swap3A_225, %swap3A_226] {strides = array<i32>} : memref<2x512xf32, #tpu.memory_space<vmem>>, vector<16xf32>,
          tpu.vector_store %arg12[%swap3A_225, %swap3A_226], %add3A_223 {strides = array<i32>} : memref<2x512xf32, #tpu.memory_space<vmem>>, vector<16xf32>,
          %mul3A_228 = arith.constant 16 : i32
          %mul3A_229 = arith.muli %add3A_198, %mul3A_228 : i32
          %swap3A_230 = arith.index_cast %mul3A_229 : i32 to index
          %swap3A_231 = tpu.vector_load %arg13[%swap3A_230] {strides = array<i32>} : memref<256xf32, #tpu.memory_space<vmem>>, vector<16xf32>,
          tpu.vector_store %arg13[%swap3A_230], %broadcast_in_dim3A_35 {strides = array<i32>} : memref<256xf32, #tpu.memory_space<vmem>>, vector<16xf32>,
          %mul3A_232 = arith.constant 16 : i32
          %mul3A_233 = arith.muli %add3A_198, %mul3A_232 : i32
          %add3A_234 = arith.constant 128 : i32
          %add3A_235 = arith.addi %add3A_234, %mul3A_233 : i32
          %swap3A_236 = arith.index_cast %add3A_235 : i32 to index
          %swap3A_237 = tpu.vector_load %arg13[%swap3A_236] {strides = array<i32>} : memref<256xf32, #tpu.memory_space<vmem>>, vector<16xf32>,
          tpu.vector_store %arg13[%swap3A_236], %broadcast_in_dim3A_35 {strides = array<i32>} : memref<256xf32, #tpu.memory_space<vmem>>, vector<16xf32>,
        }
        %scan3A_193 = arith.constant 8 : i32
      } else {
      }
      %add3A_131 = arith.constant 2 : i32
      %add3A_132 = arith.addi %add3A_76, %add3A_131 : i32
      %dma_wait3A_133 = arith.constant 0 : i32
      %dma_wait3A_134 = arith.constant 0 : i32
      %dma_wait3A_135 = tpu.memref_slice %arg3[%dma_wait3A_133, %dma_wait3A_134] : memref<200x16384xi32, #tpu.memory_space<hbm>> -> memref<40x128xi32, #tpu.memory_space<hbm>>
      %dma_wait3A_136 = arith.constant 0 : i32
      %dma_wait3A_137 = arith.constant 0 : i32
      %dma_wait3A_138 = tpu.memref_slice %arg3[%dma_wait3A_136, %dma_wait3A_137] : memref<200x16384xi32, #tpu.memory_space<hbm>> -> memref<40x128xi32, #tpu.memory_space<hbm>>
      tpu.wait_dma2 semaphore(%arg17 : memref<!tpu.dma_semaphore, #tpu.memory_space<semaphore_mem>>) src(%dma_wait3A_138 : memref<40x128xi32, #tpu.memory_space<hbm>>) dst(%arg10 : memref<40x128xi32, #tpu.memory_space<vmem>>)
      %rem3A_139 = arith.constant 5 : i32
      %rem3A_140 = arith.remsi %add3A_132, %rem3A_139 : i32
      %div3A_141 = arith.constant 5 : i32
      %div3A_142 = arith.divsi %add3A_132, %div3A_141 : i32
      %scan3A_143 = arith.constant 0 : i32
      %scan3A_144 = arith.constant 8 : i32
      %scan3A_145 = arith.addi %scan3A_143, %scan3A_144 : i32
      %scan3A_146 = arith.constant 1 : i32
      scf.for %scan3A_189 = %scan3A_143 to %scan3A_145 step %scan3A_146  : i32 {
        %mul3A_190 = arith.constant 1 : i32
        %mul3A_191 = arith.muli %scan3A_189, %mul3A_190 : i32
        %add3A_192 = arith.constant 0 : i32
        %add3A_193 = arith.addi %add3A_192, %mul3A_191 : i32
        %mul3A_194 = arith.constant 16 : i32
        %mul3A_195 = arith.muli %add3A_193, %mul3A_194 : i32
        %get3A_196 = arith.index_cast %mul3A_195 : i32 to index
        %get3A_197 = tpu.vector_load %arg13[%get3A_196] {strides = array<i32>} : memref<256xf32, #tpu.memory_space<vmem>>, vector<16xf32>,
        %mul3A_198 = arith.constant 16 : i32
        %mul3A_199 = arith.muli %add3A_193, %mul3A_198 : i32
        %add3A_200 = arith.constant 128 : i32
        %add3A_201 = arith.addi %add3A_200, %mul3A_199 : i32
        %get3A_202 = arith.index_cast %add3A_201 : i32 to index
        %get3A_203 = tpu.vector_load %arg13[%get3A_202] {strides = array<i32>} : memref<256xf32, #tpu.memory_space<vmem>>, vector<16xf32>,
        %scan3A_204 = arith.constant 0 : i32
        %scan3A_205 = arith.constant 5 : i32
        %scan3A_206 = arith.addi %scan3A_204, %scan3A_205 : i32
        %scan3A_207 = arith.constant 1 : i32
        %scan3A_208:4 = scf.for %scan3A_222 = %scan3A_204 to %scan3A_206 step %scan3A_207 iter_args(%scan3A_223 = %get3A_197, %scan3A_224 = %get3A_203, %scan3A_225 = %broadcast_in_dim3A_35, %scan3A_226 = %broadcast_in_dim3A_35) -> (vector<16xf32>, vector<16xf32>, vector<16xf32>, vector<16xf32>)  : i32 {
          %mul3A_227 = arith.constant 8 : i32
          %mul3A_228 = arith.muli %scan3A_222, %mul3A_227 : i32
          %add3A_229 = arith.constant 0 : i32
          %add3A_230 = arith.addi %mul3A_228, %add3A_229 : i32
          %mul3A_231 = arith.constant 16 : i32
          %mul3A_232 = arith.muli %add3A_193, %mul3A_231 : i32
          %get3A_233 = arith.index_cast %add3A_230 : i32 to index
          %get3A_234 = arith.index_cast %mul3A_232 : i32 to index
          %get3A_235 = tpu.vector_load %arg10[%get3A_233, %get3A_234] {strides = array<i32>} : memref<40x128xi32, #tpu.memory_space<vmem>>, vector<16xi32>,
          %gather3A = tpu.vector_load_idx %arg7[%get3A_235] : memref<102400xi32, #tpu.memory_space<vmem>>[vector<16xi32>], vector<16xi32>,
          %shift_left3A = arith.constant 16 : i32
          %shift_left3A_236 = vector.broadcast %shift_left3A : i32 to vector<16xi32>
          %shift_left3A_237 = arith.shli %gather3A, %shift_left3A_236 : vector<16xi32>
          %bitcast3A = vector.bitcast %shift_left3A_237 : vector<16xi32> to vector<16xf32>
          %and3A = arith.constant -65536 : i32
          %and3A_238 = vector.broadcast %and3A : i32 to vector<16xi32>
          %and3A_239 = arith.andi %gather3A, %and3A_238 : vector<16xi32>
          %bitcast3A_240 = vector.bitcast %and3A_239 : vector<16xi32> to vector<16xf32>
          %add3A_241 = arith.addf %scan3A_223, %bitcast3A : vector<16xf32>
          %add3A_242 = arith.addf %scan3A_224, %bitcast3A_240 : vector<16xf32>
          %mul3A_243 = arith.constant 8 : i32
          %mul3A_244 = arith.muli %scan3A_222, %mul3A_243 : i32
          %add3A_245 = arith.constant 1 : i32
          %add3A_246 = arith.addi %mul3A_244, %add3A_245 : i32
          %mul3A_247 = arith.constant 16 : i32
          %mul3A_248 = arith.muli %add3A_193, %mul3A_247 : i32
          %get3A_249 = arith.index_cast %add3A_246 : i32 to index
          %get3A_250 = arith.index_cast %mul3A_248 : i32 to index
          %get3A_251 = tpu.vector_load %arg10[%get3A_249, %get3A_250] {strides = array<i32>} : memref<40x128xi32, #tpu.memory_space<vmem>>, vector<16xi32>,
          %gather3A_252 = tpu.vector_load_idx %arg7[%get3A_251] : memref<102400xi32, #tpu.memory_space<vmem>>[vector<16xi32>], vector<16xi32>,
          %shift_left3A_253 = arith.constant 16 : i32
          %shift_left3A_254 = vector.broadcast %shift_left3A_253 : i32 to vector<16xi32>
          %shift_left3A_255 = arith.shli %gather3A_252, %shift_left3A_254 : vector<16xi32>
          %bitcast3A_256 = vector.bitcast %shift_left3A_255 : vector<16xi32> to vector<16xf32>
          %and3A_257 = arith.constant -65536 : i32
          %and3A_258 = vector.broadcast %and3A_257 : i32 to vector<16xi32>
          %and3A_259 = arith.andi %gather3A_252, %and3A_258 : vector<16xi32>
          %bitcast3A_260 = vector.bitcast %and3A_259 : vector<16xi32> to vector<16xf32>
          %add3A_261 = arith.addf %scan3A_225, %bitcast3A_256 : vector<16xf32>
          %add3A_262 = arith.addf %scan3A_226, %bitcast3A_260 : vector<16xf32>
          %mul3A_263 = arith.constant 8 : i32
          %mul3A_264 = arith.muli %scan3A_222, %mul3A_263 : i32
          %add3A_265 = arith.constant 2 : i32
          %add3A_266 = arith.addi %mul3A_264, %add3A_265 : i32
          %mul3A_267 = arith.constant 16 : i32
          %mul3A_268 = arith.muli %add3A_193, %mul3A_267 : i32
          %get3A_269 = arith.index_cast %add3A_266 : i32 to index
          %get3A_270 = arith.index_cast %mul3A_268 : i32 to index
          %get3A_271 = tpu.vector_load %arg10[%get3A_269, %get3A_270] {strides = array<i32>} : memref<40x128xi32, #tpu.memory_space<vmem>>, vector<16xi32>,
          %gather3A_272 = tpu.vector_load_idx %arg7[%get3A_271] : memref<102400xi32, #tpu.memory_space<vmem>>[vector<16xi32>], vector<16xi32>,
          %shift_left3A_273 = arith.constant 16 : i32
          %shift_left3A_274 = vector.broadcast %shift_left3A_273 : i32 to vector<16xi32>
          %shift_left3A_275 = arith.shli %gather3A_272, %shift_left3A_274 : vector<16xi32>
          %bitcast3A_276 = vector.bitcast %shift_left3A_275 : vector<16xi32> to vector<16xf32>
          %and3A_277 = arith.constant -65536 : i32
          %and3A_278 = vector.broadcast %and3A_277 : i32 to vector<16xi32>
          %and3A_279 = arith.andi %gather3A_272, %and3A_278 : vector<16xi32>
          %bitcast3A_280 = vector.bitcast %and3A_279 : vector<16xi32> to vector<16xf32>
          %add3A_281 = arith.addf %add3A_241, %bitcast3A_276 : vector<16xf32>
          %add3A_282 = arith.addf %add3A_242, %bitcast3A_280 : vector<16xf32>
          %mul3A_283 = arith.constant 8 : i32
          %mul3A_284 = arith.muli %scan3A_222, %mul3A_283 : i32
          %add3A_285 = arith.constant 3 : i32
          %add3A_286 = arith.addi %mul3A_284, %add3A_285 : i32
          %mul3A_287 = arith.constant 16 : i32
          %mul3A_288 = arith.muli %add3A_193, %mul3A_287 : i32
          %get3A_289 = arith.index_cast %add3A_286 : i32 to index
          %get3A_290 = arith.index_cast %mul3A_288 : i32 to index
          %get3A_291 = tpu.vector_load %arg10[%get3A_289, %get3A_290] {strides = array<i32>} : memref<40x128xi32, #tpu.memory_space<vmem>>, vector<16xi32>,
          %gather3A_292 = tpu.vector_load_idx %arg7[%get3A_291] : memref<102400xi32, #tpu.memory_space<vmem>>[vector<16xi32>], vector<16xi32>,
          %shift_left3A_293 = arith.constant 16 : i32
          %shift_left3A_294 = vector.broadcast %shift_left3A_293 : i32 to vector<16xi32>
          %shift_left3A_295 = arith.shli %gather3A_292, %shift_left3A_294 : vector<16xi32>
          %bitcast3A_296 = vector.bitcast %shift_left3A_295 : vector<16xi32> to vector<16xf32>
          %and3A_297 = arith.constant -65536 : i32
          %and3A_298 = vector.broadcast %and3A_297 : i32 to vector<16xi32>
          %and3A_299 = arith.andi %gather3A_292, %and3A_298 : vector<16xi32>
          %bitcast3A_300 = vector.bitcast %and3A_299 : vector<16xi32> to vector<16xf32>
          %add3A_301 = arith.addf %add3A_261, %bitcast3A_296 : vector<16xf32>
          %add3A_302 = arith.addf %add3A_262, %bitcast3A_300 : vector<16xf32>
          %mul3A_303 = arith.constant 8 : i32
          %mul3A_304 = arith.muli %scan3A_222, %mul3A_303 : i32
          %add3A_305 = arith.constant 4 : i32
          %add3A_306 = arith.addi %mul3A_304, %add3A_305 : i32
          %mul3A_307 = arith.constant 16 : i32
          %mul3A_308 = arith.muli %add3A_193, %mul3A_307 : i32
          %get3A_309 = arith.index_cast %add3A_306 : i32 to index
          %get3A_310 = arith.index_cast %mul3A_308 : i32 to index
          %get3A_311 = tpu.vector_load %arg10[%get3A_309, %get3A_310] {strides = array<i32>} : memref<40x128xi32, #tpu.memory_space<vmem>>, vector<16xi32>,
          %gather3A_312 = tpu.vector_load_idx %arg7[%get3A_311] : memref<102400xi32, #tpu.memory_space<vmem>>[vector<16xi32>], vector<16xi32>,
          %shift_left3A_313 = arith.constant 16 : i32
          %shift_left3A_314 = vector.broadcast %shift_left3A_313 : i32 to vector<16xi32>
          %shift_left3A_315 = arith.shli %gather3A_312, %shift_left3A_314 : vector<16xi32>
          %bitcast3A_316 = vector.bitcast %shift_left3A_315 : vector<16xi32> to vector<16xf32>
          %and3A_317 = arith.constant -65536 : i32
          %and3A_318 = vector.broadcast %and3A_317 : i32 to vector<16xi32>
          %and3A_319 = arith.andi %gather3A_312, %and3A_318 : vector<16xi32>
          %bitcast3A_320 = vector.bitcast %and3A_319 : vector<16xi32> to vector<16xf32>
          %add3A_321 = arith.addf %add3A_281, %bitcast3A_316 : vector<16xf32>
          %add3A_322 = arith.addf %add3A_282, %bitcast3A_320 : vector<16xf32>
          %mul3A_323 = arith.constant 8 : i32
          %mul3A_324 = arith.muli %scan3A_222, %mul3A_323 : i32
          %add3A_325 = arith.constant 5 : i32
          %add3A_326 = arith.addi %mul3A_324, %add3A_325 : i32
          %mul3A_327 = arith.constant 16 : i32
          %mul3A_328 = arith.muli %add3A_193, %mul3A_327 : i32
          %get3A_329 = arith.index_cast %add3A_326 : i32 to index
          %get3A_330 = arith.index_cast %mul3A_328 : i32 to index
          %get3A_331 = tpu.vector_load %arg10[%get3A_329, %get3A_330] {strides = array<i32>} : memref<40x128xi32, #tpu.memory_space<vmem>>, vector<16xi32>,
          %gather3A_332 = tpu.vector_load_idx %arg7[%get3A_331] : memref<102400xi32, #tpu.memory_space<vmem>>[vector<16xi32>], vector<16xi32>,
          %shift_left3A_333 = arith.constant 16 : i32
          %shift_left3A_334 = vector.broadcast %shift_left3A_333 : i32 to vector<16xi32>
          %shift_left3A_335 = arith.shli %gather3A_332, %shift_left3A_334 : vector<16xi32>
          %bitcast3A_336 = vector.bitcast %shift_left3A_335 : vector<16xi32> to vector<16xf32>
          %and3A_337 = arith.constant -65536 : i32
          %and3A_338 = vector.broadcast %and3A_337 : i32 to vector<16xi32>
          %and3A_339 = arith.andi %gather3A_332, %and3A_338 : vector<16xi32>
          %bitcast3A_340 = vector.bitcast %and3A_339 : vector<16xi32> to vector<16xf32>
          %add3A_341 = arith.addf %add3A_301, %bitcast3A_336 : vector<16xf32>
          %add3A_342 = arith.addf %add3A_302, %bitcast3A_340 : vector<16xf32>
          %mul3A_343 = arith.constant 8 : i32
          %mul3A_344 = arith.muli %scan3A_222, %mul3A_343 : i32
          %add3A_345 = arith.constant 6 : i32
          %add3A_346 = arith.addi %mul3A_344, %add3A_345 : i32
          %mul3A_347 = arith.constant 16 : i32
          %mul3A_348 = arith.muli %add3A_193, %mul3A_347 : i32
          %get3A_349 = arith.index_cast %add3A_346 : i32 to index
          %get3A_350 = arith.index_cast %mul3A_348 : i32 to index
          %get3A_351 = tpu.vector_load %arg10[%get3A_349, %get3A_350] {strides = array<i32>} : memref<40x128xi32, #tpu.memory_space<vmem>>, vector<16xi32>,
          %gather3A_352 = tpu.vector_load_idx %arg7[%get3A_351] : memref<102400xi32, #tpu.memory_space<vmem>>[vector<16xi32>], vector<16xi32>,
          %shift_left3A_353 = arith.constant 16 : i32
          %shift_left3A_354 = vector.broadcast %shift_left3A_353 : i32 to vector<16xi32>
          %shift_left3A_355 = arith.shli %gather3A_352, %shift_left3A_354 : vector<16xi32>
          %bitcast3A_356 = vector.bitcast %shift_left3A_355 : vector<16xi32> to vector<16xf32>
          %and3A_357 = arith.constant -65536 : i32
          %and3A_358 = vector.broadcast %and3A_357 : i32 to vector<16xi32>
          %and3A_359 = arith.andi %gather3A_352, %and3A_358 : vector<16xi32>
          %bitcast3A_360 = vector.bitcast %and3A_359 : vector<16xi32> to vector<16xf32>
          %add3A_361 = arith.addf %add3A_321, %bitcast3A_356 : vector<16xf32>
          %add3A_362 = arith.addf %add3A_322, %bitcast3A_360 : vector<16xf32>
          %mul3A_363 = arith.constant 8 : i32
          %mul3A_364 = arith.muli %scan3A_222, %mul3A_363 : i32
          %add3A_365 = arith.constant 7 : i32
          %add3A_366 = arith.addi %mul3A_364, %add3A_365 : i32
          %mul3A_367 = arith.constant 16 : i32
          %mul3A_368 = arith.muli %add3A_193, %mul3A_367 : i32
          %get3A_369 = arith.index_cast %add3A_366 : i32 to index
          %get3A_370 = arith.index_cast %mul3A_368 : i32 to index
          %get3A_371 = tpu.vector_load %arg10[%get3A_369, %get3A_370] {strides = array<i32>} : memref<40x128xi32, #tpu.memory_space<vmem>>, vector<16xi32>,
          %gather3A_372 = tpu.vector_load_idx %arg7[%get3A_371] : memref<102400xi32, #tpu.memory_space<vmem>>[vector<16xi32>], vector<16xi32>,
          %shift_left3A_373 = arith.constant 16 : i32
          %shift_left3A_374 = vector.broadcast %shift_left3A_373 : i32 to vector<16xi32>
          %shift_left3A_375 = arith.shli %gather3A_372, %shift_left3A_374 : vector<16xi32>
          %bitcast3A_376 = vector.bitcast %shift_left3A_375 : vector<16xi32> to vector<16xf32>
          %and3A_377 = arith.constant -65536 : i32
          %and3A_378 = vector.broadcast %and3A_377 : i32 to vector<16xi32>
          %and3A_379 = arith.andi %gather3A_372, %and3A_378 : vector<16xi32>
          %bitcast3A_380 = vector.bitcast %and3A_379 : vector<16xi32> to vector<16xf32>
          %add3A_381 = arith.addf %add3A_341, %bitcast3A_376 : vector<16xf32>
          %add3A_382 = arith.addf %add3A_342, %bitcast3A_380 : vector<16xf32>
          scf.yield %add3A_361, %add3A_362, %add3A_381, %add3A_382 : vector<16xf32>, vector<16xf32>, vector<16xf32>, vector<16xf32>
        }
        %scan3A_209 = arith.constant 5 : i32
        %add3A_210 = arith.addf %scan3A_208#0, %scan3A_208#2 : vector<16xf32>
        %mul3A_211 = arith.constant 16 : i32
        %mul3A_212 = arith.muli %add3A_193, %mul3A_211 : i32
        %swap3A_213 = arith.index_cast %mul3A_212 : i32 to index
        %swap3A_214 = tpu.vector_load %arg13[%swap3A_213] {strides = array<i32>} : memref<256xf32, #tpu.memory_space<vmem>>, vector<16xf32>,
        tpu.vector_store %arg13[%swap3A_213], %add3A_210 {strides = array<i32>} : memref<256xf32, #tpu.memory_space<vmem>>, vector<16xf32>,
        %add3A_215 = arith.addf %scan3A_208#1, %scan3A_208#3 : vector<16xf32>
        %mul3A_216 = arith.constant 16 : i32
        %mul3A_217 = arith.muli %add3A_193, %mul3A_216 : i32
        %add3A_218 = arith.constant 128 : i32
        %add3A_219 = arith.addi %add3A_218, %mul3A_217 : i32
        %swap3A_220 = arith.index_cast %add3A_219 : i32 to index
        %swap3A_221 = tpu.vector_load %arg13[%swap3A_220] {strides = array<i32>} : memref<256xf32, #tpu.memory_space<vmem>>, vector<16xf32>,
        tpu.vector_store %arg13[%swap3A_220], %add3A_215 {strides = array<i32>} : memref<256xf32, #tpu.memory_space<vmem>>, vector<16xf32>,
      }
      %scan3A_147 = arith.constant 8 : i32
      %add3A_148 = arith.constant 4 : i32
      %add3A_149 = arith.addi %add3A_132, %add3A_148 : i32
      %lt3A_150 = arith.constant 20 : i32
      %lt3A_151 = arith.cmpi slt, %add3A_149, %lt3A_150 : i32
      %convert_element_type3A_152 = arith.extui %lt3A_151 : i1 to i32
      %cond3A_153 = arith.constant 0 : i32
      %cond3A_154 = arith.cmpi ne, %convert_element_type3A_152, %cond3A_153 : i32
      scf.if %cond3A_154 {
        %jit3A = arith.constant 5 : i32
        %div3A_189 = arith.divsi %add3A_149, %jit3A : i32
        %sign3A = arith.constant 0 : i32
        %sign3A_190 = arith.cmpi sgt, %add3A_149, %sign3A : i32
        %sign3A_191 = arith.extui %sign3A_190 : i1 to i32
        %sign3A_192 = arith.constant 0 : i32
        %sign3A_193 = arith.cmpi slt, %add3A_149, %sign3A_192 : i32
        %sign3A_194 = arith.extui %sign3A_193 : i1 to i32
        %sign3A_195 = arith.subi %sign3A_191, %sign3A_194 : i32
        %sign3A_196 = arith.constant 0 : i32
        %sign3A_197 = arith.cmpi sgt, %jit3A, %sign3A_196 : i32
        %sign3A_198 = arith.extui %sign3A_197 : i1 to i32
        %sign3A_199 = arith.constant 0 : i32
        %sign3A_200 = arith.cmpi slt, %jit3A, %sign3A_199 : i32
        %sign3A_201 = arith.extui %sign3A_200 : i1 to i32
        %sign3A_202 = arith.subi %sign3A_198, %sign3A_201 : i32
        %ne3A = arith.cmpi ne, %sign3A_195, %sign3A_202 : i32
        %rem3A_203 = arith.remsi %add3A_149, %jit3A : i32
        %ne3A_204 = arith.constant 0 : i32
        %ne3A_205 = arith.cmpi ne, %rem3A_203, %ne3A_204 : i32
        %and3A = arith.andi %ne3A, %ne3A_205 : i1
        %sub3A = arith.constant 1 : i32
        %sub3A_206 = arith.subi %div3A_189, %sub3A : i32
        %select_n3A = arith.select %and3A, %sub3A_206, %div3A_189 : i32
        %mul3A_207 = arith.constant 128 : i32
        %mul3A_208 = arith.muli %select_n3A, %mul3A_207 : i32
        %add3A_209 = arith.addi %mul3A_2, %mul3A_208 : i32
        %jit3A_210 = arith.constant 5 : i32
        %eq3A_211 = arith.constant 0 : i32
        %eq3A_212 = arith.cmpi eq, %jit3A_210, %eq3A_211 : i32
        %jit3A_213 = arith.constant 1 : i32
        %select_n3A_214 = arith.select %eq3A_212, %jit3A_213, %jit3A_210 : i32
        %rem3A_215 = arith.remsi %add3A_149, %select_n3A_214 : i32
        %ne3A_216 = arith.constant 0 : i32
        %ne3A_217 = arith.cmpi ne, %rem3A_215, %ne3A_216 : i32
        %lt3A_218 = arith.constant 0 : i32
        %lt3A_219 = arith.cmpi slt, %rem3A_215, %lt3A_218 : i32
        %lt3A_220 = arith.constant 0 : i32
        %lt3A_221 = arith.cmpi slt, %select_n3A_214, %lt3A_220 : i32
        %ne3A_222 = arith.xori %lt3A_219, %lt3A_221 : i1
        %and3A_223 = arith.andi %ne3A_222, %ne3A_217 : i1
        %add3A_224 = arith.addi %rem3A_215, %select_n3A_214 : i32
        %select_n3A_225 = arith.select %and3A_223, %add3A_224, %rem3A_215 : i32
        %mul3A_226 = arith.constant 40 : i32
        %mul3A_227 = arith.muli %select_n3A_225, %mul3A_226 : i32
        %dma_start3A_228 = tpu.memref_slice %arg3[%mul3A_227, %add3A_209] : memref<200x16384xi32, #tpu.memory_space<hbm>> -> memref<40x128xi32, #tpu.memory_space<hbm>>
        %dma_start3A_229 = tpu.memref_slice %arg3[%mul3A_227, %add3A_209] : memref<200x16384xi32, #tpu.memory_space<hbm>> -> memref<40x128xi32, #tpu.memory_space<hbm>>
        tpu.enqueue_dma source(%dma_start3A_229 : memref<40x128xi32, #tpu.memory_space<hbm>>) target(%arg10 : memref<40x128xi32, #tpu.memory_space<vmem>>) target_semaphore(%arg17 : memref<!tpu.dma_semaphore, #tpu.memory_space<semaphore_mem>>)
      } else {
      }
      %eq3A_155 = arith.constant 4 : i32
      %eq3A_156 = arith.cmpi eq, %rem3A_140, %eq3A_155 : i32
      %convert_element_type3A_157 = arith.extui %eq3A_156 : i1 to i32
      %cond3A_158 = arith.constant 0 : i32
      %cond3A_159 = arith.cmpi ne, %convert_element_type3A_157, %cond3A_158 : i32
      scf.if %cond3A_159 {
        %scan3A_189 = arith.constant 0 : i32
        %scan3A_190 = arith.constant 8 : i32
        %scan3A_191 = arith.addi %scan3A_189, %scan3A_190 : i32
        %scan3A_192 = arith.constant 1 : i32
        scf.for %scan3A_194 = %scan3A_189 to %scan3A_191 step %scan3A_192  : i32 {
          %mul3A_195 = arith.constant 1 : i32
          %mul3A_196 = arith.muli %scan3A_194, %mul3A_195 : i32
          %add3A_197 = arith.constant 0 : i32
          %add3A_198 = arith.addi %add3A_197, %mul3A_196 : i32
          %mul3A_199 = arith.constant 16 : i32
          %mul3A_200 = arith.muli %add3A_198, %mul3A_199 : i32
          %get3A_201 = arith.index_cast %mul3A_200 : i32 to index
          %get3A_202 = tpu.vector_load %arg13[%get3A_201] {strides = array<i32>} : memref<256xf32, #tpu.memory_space<vmem>>, vector<16xf32>,
          %mul3A_203 = arith.constant 16 : i32
          %mul3A_204 = arith.muli %add3A_198, %mul3A_203 : i32
          %add3A_205 = arith.constant 128 : i32
          %add3A_206 = arith.addi %add3A_205, %mul3A_204 : i32
          %get3A_207 = arith.index_cast %add3A_206 : i32 to index
          %get3A_208 = tpu.vector_load %arg13[%get3A_207] {strides = array<i32>} : memref<256xf32, #tpu.memory_space<vmem>>, vector<16xf32>,
          %mul3A_209 = arith.constant 128 : i32
          %mul3A_210 = arith.muli %div3A_142, %mul3A_209 : i32
          %mul3A_211 = arith.constant 16 : i32
          %mul3A_212 = arith.muli %add3A_198, %mul3A_211 : i32
          %add3A_213 = arith.addi %mul3A_210, %mul3A_212 : i32
          %mul3A_214 = vector.broadcast %scan3A : f32 to vector<16xf32>
          %mul3A_215 = arith.mulf %get3A_202, %mul3A_214 : vector<16xf32>
          %add3A_216 = arith.addf %mul3A_215, %get3A_30 : vector<16xf32>
          %swap3A_217 = arith.constant 0 : i32
          %swap3A_218 = arith.index_cast %swap3A_217 : i32 to index
          %swap3A_219 = arith.index_cast %add3A_213 : i32 to index
          %swap3A_220 = tpu.vector_load %arg12[%swap3A_218, %swap3A_219] {strides = array<i32>} : memref<2x512xf32, #tpu.memory_space<vmem>>, vector<16xf32>,
          tpu.vector_store %arg12[%swap3A_218, %swap3A_219], %add3A_216 {strides = array<i32>} : memref<2x512xf32, #tpu.memory_space<vmem>>, vector<16xf32>,
          %mul3A_221 = vector.broadcast %scan3A : f32 to vector<16xf32>
          %mul3A_222 = arith.mulf %get3A_208, %mul3A_221 : vector<16xf32>
          %add3A_223 = arith.addf %mul3A_222, %get3A_34 : vector<16xf32>
          %swap3A_224 = arith.constant 1 : i32
          %swap3A_225 = arith.index_cast %swap3A_224 : i32 to index
          %swap3A_226 = arith.index_cast %add3A_213 : i32 to index
          %swap3A_227 = tpu.vector_load %arg12[%swap3A_225, %swap3A_226] {strides = array<i32>} : memref<2x512xf32, #tpu.memory_space<vmem>>, vector<16xf32>,
          tpu.vector_store %arg12[%swap3A_225, %swap3A_226], %add3A_223 {strides = array<i32>} : memref<2x512xf32, #tpu.memory_space<vmem>>, vector<16xf32>,
          %mul3A_228 = arith.constant 16 : i32
          %mul3A_229 = arith.muli %add3A_198, %mul3A_228 : i32
          %swap3A_230 = arith.index_cast %mul3A_229 : i32 to index
          %swap3A_231 = tpu.vector_load %arg13[%swap3A_230] {strides = array<i32>} : memref<256xf32, #tpu.memory_space<vmem>>, vector<16xf32>,
          tpu.vector_store %arg13[%swap3A_230], %broadcast_in_dim3A_35 {strides = array<i32>} : memref<256xf32, #tpu.memory_space<vmem>>, vector<16xf32>,
          %mul3A_232 = arith.constant 16 : i32
          %mul3A_233 = arith.muli %add3A_198, %mul3A_232 : i32
          %add3A_234 = arith.constant 128 : i32
          %add3A_235 = arith.addi %add3A_234, %mul3A_233 : i32
          %swap3A_236 = arith.index_cast %add3A_235 : i32 to index
          %swap3A_237 = tpu.vector_load %arg13[%swap3A_236] {strides = array<i32>} : memref<256xf32, #tpu.memory_space<vmem>>, vector<16xf32>,
          tpu.vector_store %arg13[%swap3A_236], %broadcast_in_dim3A_35 {strides = array<i32>} : memref<256xf32, #tpu.memory_space<vmem>>, vector<16xf32>,
        }
        %scan3A_193 = arith.constant 8 : i32
      } else {
      }
      %add3A_160 = arith.constant 3 : i32
      %add3A_161 = arith.addi %add3A_76, %add3A_160 : i32
      %dma_wait3A_162 = arith.constant 0 : i32
      %dma_wait3A_163 = arith.constant 0 : i32
      %dma_wait3A_164 = tpu.memref_slice %arg3[%dma_wait3A_162, %dma_wait3A_163] : memref<200x16384xi32, #tpu.memory_space<hbm>> -> memref<40x128xi32, #tpu.memory_space<hbm>>
      %dma_wait3A_165 = arith.constant 0 : i32
      %dma_wait3A_166 = arith.constant 0 : i32
      %dma_wait3A_167 = tpu.memref_slice %arg3[%dma_wait3A_165, %dma_wait3A_166] : memref<200x16384xi32, #tpu.memory_space<hbm>> -> memref<40x128xi32, #tpu.memory_space<hbm>>
      tpu.wait_dma2 semaphore(%arg18 : memref<!tpu.dma_semaphore, #tpu.memory_space<semaphore_mem>>) src(%dma_wait3A_167 : memref<40x128xi32, #tpu.memory_space<hbm>>) dst(%arg11 : memref<40x128xi32, #tpu.memory_space<vmem>>)
      %rem3A_168 = arith.constant 5 : i32
      %rem3A_169 = arith.remsi %add3A_161, %rem3A_168 : i32
      %div3A_170 = arith.constant 5 : i32
      %div3A_171 = arith.divsi %add3A_161, %div3A_170 : i32
      %scan3A_172 = arith.constant 0 : i32
      %scan3A_173 = arith.constant 8 : i32
      %scan3A_174 = arith.addi %scan3A_172, %scan3A_173 : i32
      %scan3A_175 = arith.constant 1 : i32
      scf.for %scan3A_189 = %scan3A_172 to %scan3A_174 step %scan3A_175  : i32 {
        %mul3A_190 = arith.constant 1 : i32
        %mul3A_191 = arith.muli %scan3A_189, %mul3A_190 : i32
        %add3A_192 = arith.constant 0 : i32
        %add3A_193 = arith.addi %add3A_192, %mul3A_191 : i32
        %mul3A_194 = arith.constant 16 : i32
        %mul3A_195 = arith.muli %add3A_193, %mul3A_194 : i32
        %get3A_196 = arith.index_cast %mul3A_195 : i32 to index
        %get3A_197 = tpu.vector_load %arg13[%get3A_196] {strides = array<i32>} : memref<256xf32, #tpu.memory_space<vmem>>, vector<16xf32>,
        %mul3A_198 = arith.constant 16 : i32
        %mul3A_199 = arith.muli %add3A_193, %mul3A_198 : i32
        %add3A_200 = arith.constant 128 : i32
        %add3A_201 = arith.addi %add3A_200, %mul3A_199 : i32
        %get3A_202 = arith.index_cast %add3A_201 : i32 to index
        %get3A_203 = tpu.vector_load %arg13[%get3A_202] {strides = array<i32>} : memref<256xf32, #tpu.memory_space<vmem>>, vector<16xf32>,
        %scan3A_204 = arith.constant 0 : i32
        %scan3A_205 = arith.constant 5 : i32
        %scan3A_206 = arith.addi %scan3A_204, %scan3A_205 : i32
        %scan3A_207 = arith.constant 1 : i32
        %scan3A_208:4 = scf.for %scan3A_222 = %scan3A_204 to %scan3A_206 step %scan3A_207 iter_args(%scan3A_223 = %get3A_197, %scan3A_224 = %get3A_203, %scan3A_225 = %broadcast_in_dim3A_35, %scan3A_226 = %broadcast_in_dim3A_35) -> (vector<16xf32>, vector<16xf32>, vector<16xf32>, vector<16xf32>)  : i32 {
          %mul3A_227 = arith.constant 8 : i32
          %mul3A_228 = arith.muli %scan3A_222, %mul3A_227 : i32
          %add3A_229 = arith.constant 0 : i32
          %add3A_230 = arith.addi %mul3A_228, %add3A_229 : i32
          %mul3A_231 = arith.constant 16 : i32
          %mul3A_232 = arith.muli %add3A_193, %mul3A_231 : i32
          %get3A_233 = arith.index_cast %add3A_230 : i32 to index
          %get3A_234 = arith.index_cast %mul3A_232 : i32 to index
          %get3A_235 = tpu.vector_load %arg11[%get3A_233, %get3A_234] {strides = array<i32>} : memref<40x128xi32, #tpu.memory_space<vmem>>, vector<16xi32>,
          %gather3A = tpu.vector_load_idx %arg7[%get3A_235] : memref<102400xi32, #tpu.memory_space<vmem>>[vector<16xi32>], vector<16xi32>,
          %shift_left3A = arith.constant 16 : i32
          %shift_left3A_236 = vector.broadcast %shift_left3A : i32 to vector<16xi32>
          %shift_left3A_237 = arith.shli %gather3A, %shift_left3A_236 : vector<16xi32>
          %bitcast3A = vector.bitcast %shift_left3A_237 : vector<16xi32> to vector<16xf32>
          %and3A = arith.constant -65536 : i32
          %and3A_238 = vector.broadcast %and3A : i32 to vector<16xi32>
          %and3A_239 = arith.andi %gather3A, %and3A_238 : vector<16xi32>
          %bitcast3A_240 = vector.bitcast %and3A_239 : vector<16xi32> to vector<16xf32>
          %add3A_241 = arith.addf %scan3A_223, %bitcast3A : vector<16xf32>
          %add3A_242 = arith.addf %scan3A_224, %bitcast3A_240 : vector<16xf32>
          %mul3A_243 = arith.constant 8 : i32
          %mul3A_244 = arith.muli %scan3A_222, %mul3A_243 : i32
          %add3A_245 = arith.constant 1 : i32
          %add3A_246 = arith.addi %mul3A_244, %add3A_245 : i32
          %mul3A_247 = arith.constant 16 : i32
          %mul3A_248 = arith.muli %add3A_193, %mul3A_247 : i32
          %get3A_249 = arith.index_cast %add3A_246 : i32 to index
          %get3A_250 = arith.index_cast %mul3A_248 : i32 to index
          %get3A_251 = tpu.vector_load %arg11[%get3A_249, %get3A_250] {strides = array<i32>} : memref<40x128xi32, #tpu.memory_space<vmem>>, vector<16xi32>,
          %gather3A_252 = tpu.vector_load_idx %arg7[%get3A_251] : memref<102400xi32, #tpu.memory_space<vmem>>[vector<16xi32>], vector<16xi32>,
          %shift_left3A_253 = arith.constant 16 : i32
          %shift_left3A_254 = vector.broadcast %shift_left3A_253 : i32 to vector<16xi32>
          %shift_left3A_255 = arith.shli %gather3A_252, %shift_left3A_254 : vector<16xi32>
          %bitcast3A_256 = vector.bitcast %shift_left3A_255 : vector<16xi32> to vector<16xf32>
          %and3A_257 = arith.constant -65536 : i32
          %and3A_258 = vector.broadcast %and3A_257 : i32 to vector<16xi32>
          %and3A_259 = arith.andi %gather3A_252, %and3A_258 : vector<16xi32>
          %bitcast3A_260 = vector.bitcast %and3A_259 : vector<16xi32> to vector<16xf32>
          %add3A_261 = arith.addf %scan3A_225, %bitcast3A_256 : vector<16xf32>
          %add3A_262 = arith.addf %scan3A_226, %bitcast3A_260 : vector<16xf32>
          %mul3A_263 = arith.constant 8 : i32
          %mul3A_264 = arith.muli %scan3A_222, %mul3A_263 : i32
          %add3A_265 = arith.constant 2 : i32
          %add3A_266 = arith.addi %mul3A_264, %add3A_265 : i32
          %mul3A_267 = arith.constant 16 : i32
          %mul3A_268 = arith.muli %add3A_193, %mul3A_267 : i32
          %get3A_269 = arith.index_cast %add3A_266 : i32 to index
          %get3A_270 = arith.index_cast %mul3A_268 : i32 to index
          %get3A_271 = tpu.vector_load %arg11[%get3A_269, %get3A_270] {strides = array<i32>} : memref<40x128xi32, #tpu.memory_space<vmem>>, vector<16xi32>,
          %gather3A_272 = tpu.vector_load_idx %arg7[%get3A_271] : memref<102400xi32, #tpu.memory_space<vmem>>[vector<16xi32>], vector<16xi32>,
          %shift_left3A_273 = arith.constant 16 : i32
          %shift_left3A_274 = vector.broadcast %shift_left3A_273 : i32 to vector<16xi32>
          %shift_left3A_275 = arith.shli %gather3A_272, %shift_left3A_274 : vector<16xi32>
          %bitcast3A_276 = vector.bitcast %shift_left3A_275 : vector<16xi32> to vector<16xf32>
          %and3A_277 = arith.constant -65536 : i32
          %and3A_278 = vector.broadcast %and3A_277 : i32 to vector<16xi32>
          %and3A_279 = arith.andi %gather3A_272, %and3A_278 : vector<16xi32>
          %bitcast3A_280 = vector.bitcast %and3A_279 : vector<16xi32> to vector<16xf32>
          %add3A_281 = arith.addf %add3A_241, %bitcast3A_276 : vector<16xf32>
          %add3A_282 = arith.addf %add3A_242, %bitcast3A_280 : vector<16xf32>
          %mul3A_283 = arith.constant 8 : i32
          %mul3A_284 = arith.muli %scan3A_222, %mul3A_283 : i32
          %add3A_285 = arith.constant 3 : i32
          %add3A_286 = arith.addi %mul3A_284, %add3A_285 : i32
          %mul3A_287 = arith.constant 16 : i32
          %mul3A_288 = arith.muli %add3A_193, %mul3A_287 : i32
          %get3A_289 = arith.index_cast %add3A_286 : i32 to index
          %get3A_290 = arith.index_cast %mul3A_288 : i32 to index
          %get3A_291 = tpu.vector_load %arg11[%get3A_289, %get3A_290] {strides = array<i32>} : memref<40x128xi32, #tpu.memory_space<vmem>>, vector<16xi32>,
          %gather3A_292 = tpu.vector_load_idx %arg7[%get3A_291] : memref<102400xi32, #tpu.memory_space<vmem>>[vector<16xi32>], vector<16xi32>,
          %shift_left3A_293 = arith.constant 16 : i32
          %shift_left3A_294 = vector.broadcast %shift_left3A_293 : i32 to vector<16xi32>
          %shift_left3A_295 = arith.shli %gather3A_292, %shift_left3A_294 : vector<16xi32>
          %bitcast3A_296 = vector.bitcast %shift_left3A_295 : vector<16xi32> to vector<16xf32>
          %and3A_297 = arith.constant -65536 : i32
          %and3A_298 = vector.broadcast %and3A_297 : i32 to vector<16xi32>
          %and3A_299 = arith.andi %gather3A_292, %and3A_298 : vector<16xi32>
          %bitcast3A_300 = vector.bitcast %and3A_299 : vector<16xi32> to vector<16xf32>
          %add3A_301 = arith.addf %add3A_261, %bitcast3A_296 : vector<16xf32>
          %add3A_302 = arith.addf %add3A_262, %bitcast3A_300 : vector<16xf32>
          %mul3A_303 = arith.constant 8 : i32
          %mul3A_304 = arith.muli %scan3A_222, %mul3A_303 : i32
          %add3A_305 = arith.constant 4 : i32
          %add3A_306 = arith.addi %mul3A_304, %add3A_305 : i32
          %mul3A_307 = arith.constant 16 : i32
          %mul3A_308 = arith.muli %add3A_193, %mul3A_307 : i32
          %get3A_309 = arith.index_cast %add3A_306 : i32 to index
          %get3A_310 = arith.index_cast %mul3A_308 : i32 to index
          %get3A_311 = tpu.vector_load %arg11[%get3A_309, %get3A_310] {strides = array<i32>} : memref<40x128xi32, #tpu.memory_space<vmem>>, vector<16xi32>,
          %gather3A_312 = tpu.vector_load_idx %arg7[%get3A_311] : memref<102400xi32, #tpu.memory_space<vmem>>[vector<16xi32>], vector<16xi32>,
          %shift_left3A_313 = arith.constant 16 : i32
          %shift_left3A_314 = vector.broadcast %shift_left3A_313 : i32 to vector<16xi32>
          %shift_left3A_315 = arith.shli %gather3A_312, %shift_left3A_314 : vector<16xi32>
          %bitcast3A_316 = vector.bitcast %shift_left3A_315 : vector<16xi32> to vector<16xf32>
          %and3A_317 = arith.constant -65536 : i32
          %and3A_318 = vector.broadcast %and3A_317 : i32 to vector<16xi32>
          %and3A_319 = arith.andi %gather3A_312, %and3A_318 : vector<16xi32>
          %bitcast3A_320 = vector.bitcast %and3A_319 : vector<16xi32> to vector<16xf32>
          %add3A_321 = arith.addf %add3A_281, %bitcast3A_316 : vector<16xf32>
          %add3A_322 = arith.addf %add3A_282, %bitcast3A_320 : vector<16xf32>
          %mul3A_323 = arith.constant 8 : i32
          %mul3A_324 = arith.muli %scan3A_222, %mul3A_323 : i32
          %add3A_325 = arith.constant 5 : i32
          %add3A_326 = arith.addi %mul3A_324, %add3A_325 : i32
          %mul3A_327 = arith.constant 16 : i32
          %mul3A_328 = arith.muli %add3A_193, %mul3A_327 : i32
          %get3A_329 = arith.index_cast %add3A_326 : i32 to index
          %get3A_330 = arith.index_cast %mul3A_328 : i32 to index
          %get3A_331 = tpu.vector_load %arg11[%get3A_329, %get3A_330] {strides = array<i32>} : memref<40x128xi32, #tpu.memory_space<vmem>>, vector<16xi32>,
          %gather3A_332 = tpu.vector_load_idx %arg7[%get3A_331] : memref<102400xi32, #tpu.memory_space<vmem>>[vector<16xi32>], vector<16xi32>,
          %shift_left3A_333 = arith.constant 16 : i32
          %shift_left3A_334 = vector.broadcast %shift_left3A_333 : i32 to vector<16xi32>
          %shift_left3A_335 = arith.shli %gather3A_332, %shift_left3A_334 : vector<16xi32>
          %bitcast3A_336 = vector.bitcast %shift_left3A_335 : vector<16xi32> to vector<16xf32>
          %and3A_337 = arith.constant -65536 : i32
          %and3A_338 = vector.broadcast %and3A_337 : i32 to vector<16xi32>
          %and3A_339 = arith.andi %gather3A_332, %and3A_338 : vector<16xi32>
          %bitcast3A_340 = vector.bitcast %and3A_339 : vector<16xi32> to vector<16xf32>
          %add3A_341 = arith.addf %add3A_301, %bitcast3A_336 : vector<16xf32>
          %add3A_342 = arith.addf %add3A_302, %bitcast3A_340 : vector<16xf32>
          %mul3A_343 = arith.constant 8 : i32
          %mul3A_344 = arith.muli %scan3A_222, %mul3A_343 : i32
          %add3A_345 = arith.constant 6 : i32
          %add3A_346 = arith.addi %mul3A_344, %add3A_345 : i32
          %mul3A_347 = arith.constant 16 : i32
          %mul3A_348 = arith.muli %add3A_193, %mul3A_347 : i32
          %get3A_349 = arith.index_cast %add3A_346 : i32 to index
          %get3A_350 = arith.index_cast %mul3A_348 : i32 to index
          %get3A_351 = tpu.vector_load %arg11[%get3A_349, %get3A_350] {strides = array<i32>} : memref<40x128xi32, #tpu.memory_space<vmem>>, vector<16xi32>,
          %gather3A_352 = tpu.vector_load_idx %arg7[%get3A_351] : memref<102400xi32, #tpu.memory_space<vmem>>[vector<16xi32>], vector<16xi32>,
          %shift_left3A_353 = arith.constant 16 : i32
          %shift_left3A_354 = vector.broadcast %shift_left3A_353 : i32 to vector<16xi32>
          %shift_left3A_355 = arith.shli %gather3A_352, %shift_left3A_354 : vector<16xi32>
          %bitcast3A_356 = vector.bitcast %shift_left3A_355 : vector<16xi32> to vector<16xf32>
          %and3A_357 = arith.constant -65536 : i32
          %and3A_358 = vector.broadcast %and3A_357 : i32 to vector<16xi32>
          %and3A_359 = arith.andi %gather3A_352, %and3A_358 : vector<16xi32>
          %bitcast3A_360 = vector.bitcast %and3A_359 : vector<16xi32> to vector<16xf32>
          %add3A_361 = arith.addf %add3A_321, %bitcast3A_356 : vector<16xf32>
          %add3A_362 = arith.addf %add3A_322, %bitcast3A_360 : vector<16xf32>
          %mul3A_363 = arith.constant 8 : i32
          %mul3A_364 = arith.muli %scan3A_222, %mul3A_363 : i32
          %add3A_365 = arith.constant 7 : i32
          %add3A_366 = arith.addi %mul3A_364, %add3A_365 : i32
          %mul3A_367 = arith.constant 16 : i32
          %mul3A_368 = arith.muli %add3A_193, %mul3A_367 : i32
          %get3A_369 = arith.index_cast %add3A_366 : i32 to index
          %get3A_370 = arith.index_cast %mul3A_368 : i32 to index
          %get3A_371 = tpu.vector_load %arg11[%get3A_369, %get3A_370] {strides = array<i32>} : memref<40x128xi32, #tpu.memory_space<vmem>>, vector<16xi32>,
          %gather3A_372 = tpu.vector_load_idx %arg7[%get3A_371] : memref<102400xi32, #tpu.memory_space<vmem>>[vector<16xi32>], vector<16xi32>,
          %shift_left3A_373 = arith.constant 16 : i32
          %shift_left3A_374 = vector.broadcast %shift_left3A_373 : i32 to vector<16xi32>
          %shift_left3A_375 = arith.shli %gather3A_372, %shift_left3A_374 : vector<16xi32>
          %bitcast3A_376 = vector.bitcast %shift_left3A_375 : vector<16xi32> to vector<16xf32>
          %and3A_377 = arith.constant -65536 : i32
          %and3A_378 = vector.broadcast %and3A_377 : i32 to vector<16xi32>
          %and3A_379 = arith.andi %gather3A_372, %and3A_378 : vector<16xi32>
          %bitcast3A_380 = vector.bitcast %and3A_379 : vector<16xi32> to vector<16xf32>
          %add3A_381 = arith.addf %add3A_341, %bitcast3A_376 : vector<16xf32>
          %add3A_382 = arith.addf %add3A_342, %bitcast3A_380 : vector<16xf32>
          scf.yield %add3A_361, %add3A_362, %add3A_381, %add3A_382 : vector<16xf32>, vector<16xf32>, vector<16xf32>, vector<16xf32>
        }
        %scan3A_209 = arith.constant 5 : i32
        %add3A_210 = arith.addf %scan3A_208#0, %scan3A_208#2 : vector<16xf32>
        %mul3A_211 = arith.constant 16 : i32
        %mul3A_212 = arith.muli %add3A_193, %mul3A_211 : i32
        %swap3A_213 = arith.index_cast %mul3A_212 : i32 to index
        %swap3A_214 = tpu.vector_load %arg13[%swap3A_213] {strides = array<i32>} : memref<256xf32, #tpu.memory_space<vmem>>, vector<16xf32>,
        tpu.vector_store %arg13[%swap3A_213], %add3A_210 {strides = array<i32>} : memref<256xf32, #tpu.memory_space<vmem>>, vector<16xf32>,
        %add3A_215 = arith.addf %scan3A_208#1, %scan3A_208#3 : vector<16xf32>
        %mul3A_216 = arith.constant 16 : i32
        %mul3A_217 = arith.muli %add3A_193, %mul3A_216 : i32
        %add3A_218 = arith.constant 128 : i32
        %add3A_219 = arith.addi %add3A_218, %mul3A_217 : i32
        %swap3A_220 = arith.index_cast %add3A_219 : i32 to index
        %swap3A_221 = tpu.vector_load %arg13[%swap3A_220] {strides = array<i32>} : memref<256xf32, #tpu.memory_space<vmem>>, vector<16xf32>,
        tpu.vector_store %arg13[%swap3A_220], %add3A_215 {strides = array<i32>} : memref<256xf32, #tpu.memory_space<vmem>>, vector<16xf32>,
      }
      %scan3A_176 = arith.constant 8 : i32
      %add3A_177 = arith.constant 4 : i32
      %add3A_178 = arith.addi %add3A_161, %add3A_177 : i32
      %lt3A_179 = arith.constant 20 : i32
      %lt3A_180 = arith.cmpi slt, %add3A_178, %lt3A_179 : i32
      %convert_element_type3A_181 = arith.extui %lt3A_180 : i1 to i32
      %cond3A_182 = arith.constant 0 : i32
      %cond3A_183 = arith.cmpi ne, %convert_element_type3A_181, %cond3A_182 : i32
      scf.if %cond3A_183 {
        %jit3A = arith.constant 5 : i32
        %div3A_189 = arith.divsi %add3A_178, %jit3A : i32
        %sign3A = arith.constant 0 : i32
        %sign3A_190 = arith.cmpi sgt, %add3A_178, %sign3A : i32
        %sign3A_191 = arith.extui %sign3A_190 : i1 to i32
        %sign3A_192 = arith.constant 0 : i32
        %sign3A_193 = arith.cmpi slt, %add3A_178, %sign3A_192 : i32
        %sign3A_194 = arith.extui %sign3A_193 : i1 to i32
        %sign3A_195 = arith.subi %sign3A_191, %sign3A_194 : i32
        %sign3A_196 = arith.constant 0 : i32
        %sign3A_197 = arith.cmpi sgt, %jit3A, %sign3A_196 : i32
        %sign3A_198 = arith.extui %sign3A_197 : i1 to i32
        %sign3A_199 = arith.constant 0 : i32
        %sign3A_200 = arith.cmpi slt, %jit3A, %sign3A_199 : i32
        %sign3A_201 = arith.extui %sign3A_200 : i1 to i32
        %sign3A_202 = arith.subi %sign3A_198, %sign3A_201 : i32
        %ne3A = arith.cmpi ne, %sign3A_195, %sign3A_202 : i32
        %rem3A_203 = arith.remsi %add3A_178, %jit3A : i32
        %ne3A_204 = arith.constant 0 : i32
        %ne3A_205 = arith.cmpi ne, %rem3A_203, %ne3A_204 : i32
        %and3A = arith.andi %ne3A, %ne3A_205 : i1
        %sub3A = arith.constant 1 : i32
        %sub3A_206 = arith.subi %div3A_189, %sub3A : i32
        %select_n3A = arith.select %and3A, %sub3A_206, %div3A_189 : i32
        %mul3A_207 = arith.constant 128 : i32
        %mul3A_208 = arith.muli %select_n3A, %mul3A_207 : i32
        %add3A_209 = arith.addi %mul3A_2, %mul3A_208 : i32
        %jit3A_210 = arith.constant 5 : i32
        %eq3A_211 = arith.constant 0 : i32
        %eq3A_212 = arith.cmpi eq, %jit3A_210, %eq3A_211 : i32
        %jit3A_213 = arith.constant 1 : i32
        %select_n3A_214 = arith.select %eq3A_212, %jit3A_213, %jit3A_210 : i32
        %rem3A_215 = arith.remsi %add3A_178, %select_n3A_214 : i32
        %ne3A_216 = arith.constant 0 : i32
        %ne3A_217 = arith.cmpi ne, %rem3A_215, %ne3A_216 : i32
        %lt3A_218 = arith.constant 0 : i32
        %lt3A_219 = arith.cmpi slt, %rem3A_215, %lt3A_218 : i32
        %lt3A_220 = arith.constant 0 : i32
        %lt3A_221 = arith.cmpi slt, %select_n3A_214, %lt3A_220 : i32
        %ne3A_222 = arith.xori %lt3A_219, %lt3A_221 : i1
        %and3A_223 = arith.andi %ne3A_222, %ne3A_217 : i1
        %add3A_224 = arith.addi %rem3A_215, %select_n3A_214 : i32
        %select_n3A_225 = arith.select %and3A_223, %add3A_224, %rem3A_215 : i32
        %mul3A_226 = arith.constant 40 : i32
        %mul3A_227 = arith.muli %select_n3A_225, %mul3A_226 : i32
        %dma_start3A_228 = tpu.memref_slice %arg3[%mul3A_227, %add3A_209] : memref<200x16384xi32, #tpu.memory_space<hbm>> -> memref<40x128xi32, #tpu.memory_space<hbm>>
        %dma_start3A_229 = tpu.memref_slice %arg3[%mul3A_227, %add3A_209] : memref<200x16384xi32, #tpu.memory_space<hbm>> -> memref<40x128xi32, #tpu.memory_space<hbm>>
        tpu.enqueue_dma source(%dma_start3A_229 : memref<40x128xi32, #tpu.memory_space<hbm>>) target(%arg11 : memref<40x128xi32, #tpu.memory_space<vmem>>) target_semaphore(%arg18 : memref<!tpu.dma_semaphore, #tpu.memory_space<semaphore_mem>>)
      } else {
      }
      %eq3A_184 = arith.constant 4 : i32
      %eq3A_185 = arith.cmpi eq, %rem3A_169, %eq3A_184 : i32
      %convert_element_type3A_186 = arith.extui %eq3A_185 : i1 to i32
      %cond3A_187 = arith.constant 0 : i32
      %cond3A_188 = arith.cmpi ne, %convert_element_type3A_186, %cond3A_187 : i32
      scf.if %cond3A_188 {
        %scan3A_189 = arith.constant 0 : i32
        %scan3A_190 = arith.constant 8 : i32
        %scan3A_191 = arith.addi %scan3A_189, %scan3A_190 : i32
        %scan3A_192 = arith.constant 1 : i32
        scf.for %scan3A_194 = %scan3A_189 to %scan3A_191 step %scan3A_192  : i32 {
          %mul3A_195 = arith.constant 1 : i32
          %mul3A_196 = arith.muli %scan3A_194, %mul3A_195 : i32
          %add3A_197 = arith.constant 0 : i32
          %add3A_198 = arith.addi %add3A_197, %mul3A_196 : i32
          %mul3A_199 = arith.constant 16 : i32
          %mul3A_200 = arith.muli %add3A_198, %mul3A_199 : i32
          %get3A_201 = arith.index_cast %mul3A_200 : i32 to index
          %get3A_202 = tpu.vector_load %arg13[%get3A_201] {strides = array<i32>} : memref<256xf32, #tpu.memory_space<vmem>>, vector<16xf32>,
          %mul3A_203 = arith.constant 16 : i32
          %mul3A_204 = arith.muli %add3A_198, %mul3A_203 : i32
          %add3A_205 = arith.constant 128 : i32
          %add3A_206 = arith.addi %add3A_205, %mul3A_204 : i32
          %get3A_207 = arith.index_cast %add3A_206 : i32 to index
          %get3A_208 = tpu.vector_load %arg13[%get3A_207] {strides = array<i32>} : memref<256xf32, #tpu.memory_space<vmem>>, vector<16xf32>,
          %mul3A_209 = arith.constant 128 : i32
          %mul3A_210 = arith.muli %div3A_171, %mul3A_209 : i32
          %mul3A_211 = arith.constant 16 : i32
          %mul3A_212 = arith.muli %add3A_198, %mul3A_211 : i32
          %add3A_213 = arith.addi %mul3A_210, %mul3A_212 : i32
          %mul3A_214 = vector.broadcast %scan3A : f32 to vector<16xf32>
          %mul3A_215 = arith.mulf %get3A_202, %mul3A_214 : vector<16xf32>
          %add3A_216 = arith.addf %mul3A_215, %get3A_30 : vector<16xf32>
          %swap3A_217 = arith.constant 0 : i32
          %swap3A_218 = arith.index_cast %swap3A_217 : i32 to index
          %swap3A_219 = arith.index_cast %add3A_213 : i32 to index
          %swap3A_220 = tpu.vector_load %arg12[%swap3A_218, %swap3A_219] {strides = array<i32>} : memref<2x512xf32, #tpu.memory_space<vmem>>, vector<16xf32>,
          tpu.vector_store %arg12[%swap3A_218, %swap3A_219], %add3A_216 {strides = array<i32>} : memref<2x512xf32, #tpu.memory_space<vmem>>, vector<16xf32>,
          %mul3A_221 = vector.broadcast %scan3A : f32 to vector<16xf32>
          %mul3A_222 = arith.mulf %get3A_208, %mul3A_221 : vector<16xf32>
          %add3A_223 = arith.addf %mul3A_222, %get3A_34 : vector<16xf32>
          %swap3A_224 = arith.constant 1 : i32
          %swap3A_225 = arith.index_cast %swap3A_224 : i32 to index
          %swap3A_226 = arith.index_cast %add3A_213 : i32 to index
          %swap3A_227 = tpu.vector_load %arg12[%swap3A_225, %swap3A_226] {strides = array<i32>} : memref<2x512xf32, #tpu.memory_space<vmem>>, vector<16xf32>,
          tpu.vector_store %arg12[%swap3A_225, %swap3A_226], %add3A_223 {strides = array<i32>} : memref<2x512xf32, #tpu.memory_space<vmem>>, vector<16xf32>,
          %mul3A_228 = arith.constant 16 : i32
          %mul3A_229 = arith.muli %add3A_198, %mul3A_228 : i32
          %swap3A_230 = arith.index_cast %mul3A_229 : i32 to index
          %swap3A_231 = tpu.vector_load %arg13[%swap3A_230] {strides = array<i32>} : memref<256xf32, #tpu.memory_space<vmem>>, vector<16xf32>,
          tpu.vector_store %arg13[%swap3A_230], %broadcast_in_dim3A_35 {strides = array<i32>} : memref<256xf32, #tpu.memory_space<vmem>>, vector<16xf32>,
          %mul3A_232 = arith.constant 16 : i32
          %mul3A_233 = arith.muli %add3A_198, %mul3A_232 : i32
          %add3A_234 = arith.constant 128 : i32
          %add3A_235 = arith.addi %add3A_234, %mul3A_233 : i32
          %swap3A_236 = arith.index_cast %add3A_235 : i32 to index
          %swap3A_237 = tpu.vector_load %arg13[%swap3A_236] {strides = array<i32>} : memref<256xf32, #tpu.memory_space<vmem>>, vector<16xf32>,
          tpu.vector_store %arg13[%swap3A_236], %broadcast_in_dim3A_35 {strides = array<i32>} : memref<256xf32, #tpu.memory_space<vmem>>, vector<16xf32>,
        }
        %scan3A_193 = arith.constant 8 : i32
      } else {
      }
    }
    %scan3A_71 = arith.constant 5 : i32
    "tpu.region"() ({
      %run_scoped3A = tpu.sem_alloc : memref<!tpu.dma_semaphore, #tpu.memory_space<semaphore_mem>>
      %dma_start3A_72 = arith.constant 0 : i32
      %dma_start3A_73 = tpu.memref_slice %arg5[%dma_start3A_72, %mul3A_2] : memref<2x16384xf32, #tpu.memory_space<hbm>> -> memref<2x512xf32, #tpu.memory_space<hbm>>
      %dma_start3A_74 = arith.constant 0 : i32
      %dma_start3A_75 = tpu.memref_slice %arg5[%dma_start3A_74, %mul3A_2] : memref<2x16384xf32, #tpu.memory_space<hbm>> -> memref<2x512xf32, #tpu.memory_space<hbm>>
      tpu.enqueue_dma source(%arg12 : memref<2x512xf32, #tpu.memory_space<vmem>>) target(%dma_start3A_75 : memref<2x512xf32, #tpu.memory_space<hbm>>) target_semaphore(%run_scoped3A : memref<!tpu.dma_semaphore, #tpu.memory_space<semaphore_mem>>)
      %dma_wait3A = arith.constant 0 : i32
      %dma_wait3A_76 = tpu.memref_slice %arg5[%dma_wait3A, %mul3A_2] : memref<2x16384xf32, #tpu.memory_space<hbm>> -> memref<2x512xf32, #tpu.memory_space<hbm>>
      %dma_wait3A_77 = arith.constant 0 : i32
      %dma_wait3A_78 = tpu.memref_slice %arg5[%dma_wait3A_77, %mul3A_2] : memref<2x16384xf32, #tpu.memory_space<hbm>> -> memref<2x512xf32, #tpu.memory_space<hbm>>
      tpu.wait_dma2 semaphore(%run_scoped3A : memref<!tpu.dma_semaphore, #tpu.memory_space<semaphore_mem>>) src(%arg12 : memref<2x512xf32, #tpu.memory_space<vmem>>) dst(%dma_wait3A_78 : memref<2x512xf32, #tpu.memory_space<hbm>>)
      tpu.yield
    }) : () -> ()
    return
  }
}

module attributes {stable_mosaic.version = 14 : i64} {
  func.func @_proj_body(%arg0: i32, %arg1: memref<64x20480xf32, #tpu.memory_space<vmem>>, %arg2: memref<2x64xf32, #tpu.memory_space<vmem>>, %arg3: memref<20480xi32, #tpu.memory_space<vmem>>) attributes {dimension_semantics = [#tpu.dimension_semantics<arbitrary>], iteration_bounds = array<i64: 5>, scalar_prefetch = 0 : i64, scratch_operands = 0 : i64, tpu.core_type = #tpu.core_type<tc>, window_params = [{transform_indices = @transform_0, window_bounds = array<i64: 64, 20480>}, {pipeline_mode = #tpu.pipeline_mode<synchronous>, transform_indices = @transform_1, window_bounds = array<i64: 2, 64>}, {transform_indices = @transform_2, window_bounds = array<i64: 20480>}]} {
    %get3A = arith.constant 0 : index
    %get3A_0 = arith.constant 0 : index
    %get3A_1 = vector.load %arg2[%get3A, %get3A_0] : memref<2x64xf32, #tpu.memory_space<vmem>>, vector<2x64xf32>
    %get3A_2 = arith.constant 0 : index
    %get3A_3 = arith.constant 0 : index
    %get3A_4 = vector.load %arg1[%get3A_2, %get3A_3] : memref<64x20480xf32, #tpu.memory_space<vmem>>, vector<64x20480xf32>
    %dot_general3A = arith.constant dense<0.000000e+00> : vector<2x20480xf32>
    %dot_general3A_5 = tpu.matmul %get3A_1, %get3A_4, %dot_general3A {dimension_numbers = #tpu.dot_dimension_numbers<[1], [0], [0], [1], [0, 0, 1, 1], [], []>, transpose_lhs_hint = false} : vector<2x64xf32>, vector<64x20480xf32>, vector<2x20480xf32> -> vector<2x20480xf32>
    %slice3A = vector.extract_strided_slice %dot_general3A_5 {offsets = [0, 0], sizes = [1, 20480], strides = [1, 1]} : vector<2x20480xf32> to vector<1x20480xf32>
    %bitcast_convert_type3A = tpu.bitcast %slice3A : vector<1x20480xf32> -> vector<1x20480xi32>
    %shift_right_logical3A = arith.constant 16 : i32
    %shift_right_logical3A_6 = vector.broadcast %shift_right_logical3A : i32 to vector<1x20480xi32>
    %shift_right_logical3A_7 = arith.shrui %bitcast_convert_type3A, %shift_right_logical3A_6 : vector<1x20480xi32>
    %and3A = arith.constant 1 : i32
    %and3A_8 = vector.broadcast %and3A : i32 to vector<1x20480xi32>
    %and3A_9 = arith.andi %shift_right_logical3A_7, %and3A_8 : vector<1x20480xi32>
    %add3A = arith.constant 32767 : i32
    %add3A_10 = vector.broadcast %add3A : i32 to vector<1x20480xi32>
    %add3A_11 = arith.addi %bitcast_convert_type3A, %add3A_10 : vector<1x20480xi32>
    %add3A_12 = arith.addi %add3A_11, %and3A_9 : vector<1x20480xi32>
    %and3A_13 = arith.constant -65536 : i32
    %and3A_14 = vector.broadcast %and3A_13 : i32 to vector<1x20480xi32>
    %and3A_15 = arith.andi %add3A_12, %and3A_14 : vector<1x20480xi32>
    %slice3A_16 = vector.extract_strided_slice %dot_general3A_5 {offsets = [1, 0], sizes = [1, 20480], strides = [1, 1]} : vector<2x20480xf32> to vector<1x20480xf32>
    %bitcast_convert_type3A_17 = tpu.bitcast %slice3A_16 : vector<1x20480xf32> -> vector<1x20480xi32>
    %shift_right_logical3A_18 = arith.constant 16 : i32
    %shift_right_logical3A_19 = vector.broadcast %shift_right_logical3A_18 : i32 to vector<1x20480xi32>
    %shift_right_logical3A_20 = arith.shrui %bitcast_convert_type3A_17, %shift_right_logical3A_19 : vector<1x20480xi32>
    %and3A_21 = arith.constant 1 : i32
    %and3A_22 = vector.broadcast %and3A_21 : i32 to vector<1x20480xi32>
    %and3A_23 = arith.andi %shift_right_logical3A_20, %and3A_22 : vector<1x20480xi32>
    %add3A_24 = arith.constant 32767 : i32
    %add3A_25 = vector.broadcast %add3A_24 : i32 to vector<1x20480xi32>
    %add3A_26 = arith.addi %bitcast_convert_type3A_17, %add3A_25 : vector<1x20480xi32>
    %add3A_27 = arith.addi %add3A_26, %and3A_23 : vector<1x20480xi32>
    %and3A_28 = arith.constant -65536 : i32
    %and3A_29 = vector.broadcast %and3A_28 : i32 to vector<1x20480xi32>
    %and3A_30 = arith.andi %add3A_27, %and3A_29 : vector<1x20480xi32>
    %shift_right_logical3A_31 = arith.constant 16 : i32
    %shift_right_logical3A_32 = vector.broadcast %shift_right_logical3A_31 : i32 to vector<1x20480xi32>
    %shift_right_logical3A_33 = arith.shrui %and3A_15, %shift_right_logical3A_32 : vector<1x20480xi32>
    %or3A = arith.ori %and3A_30, %shift_right_logical3A_33 : vector<1x20480xi32>
    %reshape3A = vector.shape_cast %or3A : vector<1x20480xi32> to vector<20480xi32>
    %swap3A = arith.constant 0 : index
    %swap3A_34 = vector.load %arg3[%swap3A] : memref<20480xi32, #tpu.memory_space<vmem>>, vector<20480xi32>
    tpu.vector_store %arg3[%swap3A], %reshape3A {strides = array<i32>} : memref<20480xi32, #tpu.memory_space<vmem>>, vector<20480xi32>,
    return
  }
  func.func @transform_0(%arg0: i32) -> (i32, i32) {
    %c0_i32 = arith.constant 0 : i32
    %c0_i32_0 = arith.constant 0 : i32
    return %c0_i32, %arg0 : i32, i32
  }
  func.func @transform_1(%arg0: i32) -> (i32, i32) {
    %c0_i32 = arith.constant 0 : i32
    %c0_i32_0 = arith.constant 0 : i32
    %c0_i32_1 = arith.constant 0 : i32
    return %c0_i32, %c0_i32_0 : i32, i32
  }
  func.func @transform_2(%arg0: i32) -> i32 {
    %c0_i32 = arith.constant 0 : i32
    return %arg0 : i32
  }
}

</mosaic_0001>

<sc_bundles>
// kernel: kernel.4.cloned.1.call-start
scs
__scs_entry_jumppad:
0x0: {  	(pc) =	sbr.rel $0x88, $3  }
0x1: {  	(tag) =	ssettag $0x0;
	lr =	simm.s32 $0x1  }
0x2: {  	[smem:$0x3F9D] =	sst lr;
	_ =	strace $0xD0000000  }
0x3: {  	_ = 	snop  }
0x4: {  	_ = 	snop  }
0x5: {  	_ = 	snop  }
0x6: {  	_ = 	snop  }
0x7: {  	_ = 	snop  }
__scs_overlays_trampoline_lowered:
0x8: {  	[smem:$0x3FAC] =	sst s0  }
0x9: {  	[smem:$0x3FAD] =	sst s1  }
0xa: {  	[smem:$0x3FAE] =	sst s2  }
0xb: {  	[smem:$0x3FAF] =	sst s3  }
0xc: {  	[smem:$0x3FB0] =	sst s4  }
0xd: {  	[smem:$0x3FB1] =	sst s5  }
0xe: {  	[smem:$0x3FB2] =	sst s6  }
0xf: {  	[smem:$0x3FB3] =	sst s7  }
0x10: {  	[smem:$0x3FB4] =	sst s8  }
0x11: {  	[smem:$0x3FB5] =	sst s9;
	s0 =	simm.s32 @!p0 $0x0  }
0x12: {  	s1 =	sld [smem:$0x3F9B];
	s0 =	simm.s32 @p0 $0x1  }
0x13: {  	[smem:$0x3FB6] =	sst s0;
	s0 =	simm.s32 @!p1 $0x0  }
0x14: {  	s2 =	sld [smem:$0x3F9A];
	s0 =	simm.s32 @p1 $0x1  }
0x15: {  	[smem:$0x3FB7] =	sst s0;
	s0 =	simm.s32 @!p2 $0x0  }
0x16: {  	s3 =	sld [smem:$0x3FDB];
	s0 =	simm.s32 @p2 $0x1  }
0x17: {  	s4 =	simm.s32 $0x1BF5;
	[smem:$0x3FB9] =	sst s0  }
0x18: {  	s0 =	sld [smem:$0x3F9C];
	_ =	swait.ge [sflag:s4], $0x0  }
0x19: {  	s7 =	sld [smem:$0x3F9D]  }
0x1a: {  	s8 =	sadd.s32 $0xFFFFE003, lr  }
0x1b: {  	s9 =	sadd.s32 $0xFFFFFEF7, lr;
	s5 =	simm.s32 $0xFFFFFFFF;
	p2 =	slt.u32 s8, $0xFFFFF086  }
0x1c: {  	p1 =	slt.u32 s9, $0xF7A;
	s5 =	simm.s32 @!p2 $0x0  }
0x1d: {  	s5 =	simm.s32 @p1 $0x1;
	p0 =	seq.s32 s7, s2  }
0x1e: {  	s7 =	smul.u32 @!p0 $0xF7A, s2;
	p2 =	seq.s32 @!p0 s5, $0x0  }
0x1f: {  	s9 =	smul.u32 $0xF7A, s1;
	s8 =	simm.s32 @!p0 $0x1BF5;
	p2 =	por !p2, p0  }
0x20: {  	[sflag:s8] =	ssyncset.s32 @!p0 $0xFFFFF086;
	s6 =	sadd.s32 @!p0 s3, s7;
	s7 =	simm.s32 @!p0 $0x108  }
0x21: {  	s3 =	sadd.s32 s3, s9;
	s6 =	sadd.s32 @!p0 $0x88, s6;
	s7 =	simm.s32 @p2 $0x1082  }
0x22: {  	[simem:s7], [sflag:s8] =	dma.local @!p0 [hbm:s6], $0xF7A  }
0x23: {  	s9 =	sor.u32 $0xD0000000, s2;
	s6 =	simm.s32 $0x108;
	_ =	swait.ge @!p0 [sflag:s8], $0x0  }
0x24: {  	s3 =	sadd.s32 $0x88, s3;
	s6 =	simm.s32 @!p1 $0x1082;
	[sflag:s4] =	ssyncset.s32 $0xFFFFF086  }
0x25: {  	[simem:s6], [sflag:s4] =	dma.local [hbm:s3], $0xF7A  }
0x26: {  	[smem:$0x3F9D] =	sst s1;
	(tag) =	ssettag s2;
	_ =	strace s9  }
0x27: {  	s1 =	sld [smem:$0x3FAD]  }
0x28: {  	s2 =	sld [smem:$0x3FAE]  }
0x29: {  	s4 =	sld [smem:$0x3FB0]  }
0x2a: {  	p0 =	seq.s32 s5, $0x0;
	s5 =	sld [smem:$0x3FB1]  }
0x2b: {  	s6 =	sld [smem:$0x3FB2]  }
0x2c: {  	s7 =	sld [smem:$0x3FB3]  }
0x2d: {  	s3 =	simm.s32 $0x108;
	s8 =	sld [smem:$0x3FB4]  }
0x2e: {  	s3 =	simm.s32 @!p0 $0x1082;
	s9 =	sld [smem:$0x3FB5]  }
0x2f: {  	lr =	sadd.s32 s0, s3;
	s0 =	sld [smem:$0x3FAC]  }
0x30: {  	s3 =	sld [smem:$0x3FAF]  }
0x31: {  	[smem:$0x3FB8] =	sst s10  }
0x32: {  	s10 =	sld [smem:$0x3FB6];
	_ =	sdelay $0x3  }
0x33: {  	p0 =	seq.s32 s10, $0x1;
	s10 =	sld [smem:$0x3FB8];
	_ =	sdelay $0x3  }
0x34: {  	[smem:$0x3FB8] =	sst s10  }
0x35: {  	s10 =	sld [smem:$0x3FB7];
	_ =	sdelay $0x3  }
0x36: {  	p1 =	seq.s32 s10, $0x1;
	s10 =	sld [smem:$0x3FB8];
	_ =	sdelay $0x3  }
0x37: {  	[smem:$0x3FB8] =	sst s10  }
0x38: {  	s10 =	sld [smem:$0x3FB9]  }
0x39: {  	_ = 	snop;
	(pc) =	sbr.ind lr, $3  }
0x3a: {  	_ = 	snop  }
0x3b: {  	_ = 	snop  }
0x3c: {  	p2 =	seq.s32 s10, $0x1;
	s10 =	sld [smem:$0x3FB8]  }
0x3d: {  	_ =	shalt  }
0x3e: {  	_ =	shalt  }
0x3f: {  	_ =	shalt  }
0x40: {  	_ =	shalt  }
0x41: {  	_ =	shalt  }
0x42: {  	_ =	shalt  }
0x43: {  	_ =	shalt  }
0x44: {  	_ =	shalt  }
0x45: {  	_ =	shalt  }
0x46: {  	_ =	shalt  }
0x47: {  	_ =	shalt  }
0x48: {  	_ =	shalt  }
0x49: {  	_ =	shalt  }
0x4a: {  	_ =	shalt  }
0x4b: {  	_ =	shalt  }
0x4c: {  	_ =	shalt  }
0x4d: {  	_ =	shalt  }
0x4e: {  	_ =	shalt  }
0x4f: {  	_ =	shalt  }
0x50: {  	_ =	shalt  }
0x51: {  	_ =	shalt  }
0x52: {  	_ =	shalt  }
0x53: {  	_ =	shalt  }
0x54: {  	_ =	shalt  }
0x55: {  	_ =	shalt  }
0x56: {  	_ =	shalt  }
0x57: {  	_ =	shalt  }
0x58: {  	_ =	shalt  }
0x59: {  	_ =	shalt  }
0x5a: {  	_ =	shalt  }
0x5b: {  	_ =	shalt  }
0x5c: {  	_ =	shalt  }
0x5d: {  	_ =	shalt  }
0x5e: {  	_ =	shalt  }
0x5f: {  	_ =	shalt  }
0x60: {  	_ =	shalt  }
0x61: {  	_ =	shalt  }
0x62: {  	_ =	shalt  }
0x63: {  	_ =	shalt  }
0x64: {  	_ =	shalt  }
0x65: {  	_ =	shalt  }
0x66: {  	_ =	shalt  }
0x67: {  	_ =	shalt  }
0x68: {  	_ =	shalt  }
0x69: {  	_ =	shalt  }
0x6a: {  	_ =	shalt  }
0x6b: {  	_ =	shalt  }
0x6c: {  	_ =	shalt  }
0x6d: {  	_ =	shalt  }
0x6e: {  	_ =	shalt  }
0x6f: {  	_ =	shalt  }
0x70: {  	_ =	shalt  }
0x71: {  	_ =	shalt  }
0x72: {  	_ =	shalt  }
0x73: {  	_ =	shalt  }
0x74: {  	_ =	shalt  }
0x75: {  	_ =	shalt  }
0x76: {  	_ =	shalt  }
0x77: {  	_ =	shalt  }
0x78: {  	_ =	shalt  }
0x79: {  	_ =	shalt  }
0x7a: {  	_ =	shalt  }
0x7b: {  	_ =	shalt  }
0x7c: {  	_ =	shalt  }
0x7d: {  	_ =	shalt  }
0x7e: {  	_ =	shalt  }
0x7f: {  	_ =	shalt  }
0x80: {  	_ =	shalt  }
0x81: {  	_ =	shalt  }
0x82: {  	_ =	shalt  }
0x83: {  	_ =	shalt  }
0x84: {  	_ =	shalt  }
0x85: {  	_ =	shalt  }
0x86: {  	_ =	shalt  }
0x87: {  	_ =	shalt  }
.Lfunc_end0:
.L_simem_size_0:
called_computation_lowered:
.L_overlay_start_0:
0x88: {  	s2 =	sld [smem:$0x3FD9]  }
0x89: {  	s3 =	sld [smem:$0x3FFE];
	_ =	sdelay $0x1  }
0x8a: {  	s1 =	srdreg.scid  }
0x8b: {  	s0 =	sand.u32 $0x1, s1  }
0x8c: {  	s17 =	sshll.u32 s0, $0xA;
	s2 =	sadd.s32 s3, s2  }
0x8d: {  	s2 =	sadd.s32 s2, s17  }
0x8e: {  	[smem:$0x3FC4] =	sst s2  }
0x8f: {  	_ = 	snop  }
0x90: {  	s2 =	sld [smem:$0x3FC9]  }
0x91: {  	s18 =	sld [smem:$0x3FD0];
	(tm) =	ssettm $0x1  }
0x92: {  	s4 =	sld [smem:$0x3FFB];
	_ =	sdelay $0x3  }
0x93: {  	_ =	strace s4  }
0x94: {  	s4 =	sld [smem:$0x3FFC];
	_ =	sdelay $0x3  }
0x95: {  	_ =	strace s4  }
0x96: {  	s4 =	sld [smem:$0x3FFD];
	_ =	sdelay $0x3  }
0x97: {  	_ =	strace s4  }
0x98: {  	_ =	strace $0x8FFFFFFF  }
0x99: {  	s19 =	sld [smem:$0x3FDB];
	_ =	sdelay $0x1  }
0x9a: {  	s5 =	simm.s32 $_scs_section_size  }
0x9b: {  	s6 =	simm.s32 $_size__tile_overlayer_lowered;
	s7 =	simm.s32 $_tile_overlayer_lowered  }
0x9c: {  	s22 =	simm.s32 $0x1BFF;
	s21 =	sshll.u32 s7, $0x1;
	s4 =	sadd.s32 s5, s19  }
0x9d: {  	s8 =	simm.s32 $0x0;
	s20 =	sshll.u32 s6, $0x1;
	s6 =	sadd.s32 s21, s4  }
0x9e: {  	[timem:s8], [sflag:s22] =	dma.local [hbm:s6], s20  }
0x9f: {  	_ =	swait.ge [sflag:s22], s20  }
0xa0: {  	s5 =	ssub.s32 $0x0, s20;
	[sflag:s22] =	ssyncset.done $0x0  }
0xa1: {  	[sflag:s22] =	ssyncadd.s32 s5;
	_ =	sdelay $0x1  }
0xa2: {  	s23 =	simm.s32 $0x1B8B  }
0xa3: {  	_ =	swait.ge [sflag:s23], $0x1  }
0xa4: {  	[sflag:s23] =	ssyncset.done $0x0  }
0xa5: {  	s25 =	simm.s32 $0x1B8E;
	s24 =	sld [smem:$0x3FFE];
	[sflag:s23] =	ssyncadd.s32 $0xFFFFFFFF  }
0xa6: {  	s26 =	simm.s32 $execute0_lowered;
	[smem:$0x3FD2] =	sst s25  }
0xa7: {  	s6 =	sshll.u32 s26, $0x1;
	_ =	strace $0x80000046;
	[dreg:$0x1] =	wrdreg $0xFFFFFFFF  }
0xa8: {  	s28 =	simm.s32 $_size_execute0_lowered;
	s4 =	sadd.s32 s4, s6;
	[dreg:$0x0] =	wrdreg $0x0  }
0xa9: {  	s6 =	sshll.u32 s28, $0x1;
	[dreg:$0x2] =	wrdreg s4  }
0xaa: {  	[dreg:$0x3] =	wrdreg s6  }
0xab: {  	[dreg:$0x4] =	wrdreg $0xC0  }
0xac: {  	_ =	task [dreg:s8], $0x5FFFF  }
0xad: {  	[dreg:$0x1] =	wrdreg $0xFFFFFFFF  }
0xae: {  	[dreg:$0x0] =	wrdreg $0x60  }
0xaf: {  	[dreg:$0x2] =	wrdreg s24  }
0xb0: {  	[dreg:$0x3] =	wrdreg s2  }
0xb1: {  	[dreg:$0x4] =	wrdreg s18  }
0xb2: {  	[dreg:$0x5] =	wrdreg $0x0  }
0xb3: {  	[dreg:$0x6] =	wrdreg $0x9  }
0xb4: {  	_ =	task.clear_ibuf [dreg:s8], $0x7FFFF;
	_ =	strace $0x90000046  }
0xb5: {  	s29 =	simm.s32 $0x9;
	_ =	strace $0x80000048  }
0xb6: {  	_ =	swait.ge [sflag:s29], $0x1  }
0xb7: {  	[sflag:s29] =	ssyncadd.s32 $0xFFFFFFFF  }
0xb8: {  	_ =	strace $0x90000048  }
0xb9: {  	_ =	sfence  }
0xba: {  	s30 =	sld [smem:$0x0];
	_ =	sdelay $0x2  }
0xbb: {  	s31 =	sshll.u32 s1, $0xD;
	s1 =	sshrl.u32 s1, $0x2  }
0xbc: {  	s3 =	sand.u32 $0x4000, s31;
	s1 =	sadd.s32 s1, s30  }
0xbd: {  	s0 =	sor.u32 s3, s0;
	s1 =	sshll.u32 s1, $0x11  }
0xbe: {  	s0 =	sor.u32 s1, s0  }
0xbf: {  	s0 =	sadd.s32 $0x8F2B, s0  }
0xc0: {  	[sflag:s0] =	ssyncadd.remote.s32 $0x1  }
0xc1: {  	_ =	sfence.sel $0xFFFF  }
0xc2: {  	[dreg:$0x0] =	wrdreg $0xFFFFFFFF;
	(pc) =	sbr.abs _section_cstart, $3  }
0xc3: {  	[dreg:$0x1] =	wrdreg $0xFFFFFFFF  }
0xc4: {  	_ =	task.clear_ibuf [dreg:s8], $0x2FFFF;
	_ =	strace $0x9FFFFFFF  }
0xc5: {  	(tm) =	ssettm $0x7FFFFFFF  }
tec
execute0_lowered:
.L_overlay_start_1:
0x0: {  	(tag) =	ssettag $0x1  }
0x1: {  	s0 =	rddreg [dreg:$0x0]  }
0x2: {  	s1 =	rddreg [dreg:$0x1]  }
0x3: {  	s11 =	rddreg [dreg:$0x2]  }
0x4: {  	s2 =	rddreg [dreg:$0x3];
	s3 =	simm.s32 $0x0;
	s4 =	srdreg.scid  }
0x5: {  	s13 =	stileid.u32;
	s14 =	simm.s32 $0x20000;
	s20 =	simm.s32 $0x1900  }
0x6: {  	s21 =	simm.s32 $0x5;
	s23 =	simm.s32 $0x1;
	s24 =	simm.s32 $0x2  }
0x7: {  	s25 =	simm.s32 $0x3;
	s26 =	simm.s32 $0x4;
	s28 =	simm.s32 $0x1F900  }
0x8: {  	s29 =	simm.s32 $0x0;
	[smem:$0x7FF] =	sst s3;
	s4 =	sand.u32 $0x1, s4  }
0x9: {  	s5 =	sshll.u32 s13, $0xA;
	p0 =	sne.s32 s13, $0x0;
	s13 =	simm.s32 $0x400  }
0xa: {  	_ =	strace $0x80000047;
	s6 =	ssub.s32 $0x2, s4;
	s7 =	sshll.u32 s4, $0x9  }
.Ltmp0:
0xb: {  	s4 =	sadd.s32 $0xA00, s0;
	s19 =	sshrl.u32 @!p0 s2, $0x3;
	(pc) =	sbr.rel .LBB2_1-.Ltmp0, $4  }
0xc: {  	s8 =	sshrl.u32 s6, $0x1;
	s10 =	sor.u32 s7, s5;
	s5 =	sadd.s32 $0x3C00, s0  }
0xd: {  	s31 =	ssub.s32 s6, s8;
	s6 =	sadd.s32 s1, s10;
	s12 =	sshrl.u32 s10, $0x2  }
0xe: {  	s10 =	sshrl.u32 s10, $0x7;
	s7 =	sadd.s32 $0x14000, s6;
	s8 =	sadd.s32 $0x28000, s6  }
0xf: {  	v0 =	vimm.f32 $0.0e+00;
	s9 =	sadd.s32 $0x3C000, s6;
	s11 =	sadd.s32 s11, s12;
	s12 =	smax.u32 s31, $0x1  }
.LBB2_27:
0x10: {  	s29 =	sadd.s32 $0x1, s29  }
0x11: {  	p1 =	sne.s32 s29, s12  }
.Ltmp1:
0x12: {  	_ = 	snop;
	(pc) =	sbr.rel @!p1 .LBB2_28-.Ltmp1, $4  }
0x13: {  	[hbm4b:s11+s3] =	stream.linear.scatter [tilespmem:s28], [sflag:$0x5], $0x400, $0x38;
	[tilespmem:$0x1FF00] =	vst v63  }
0x14: {  	_ =	swait.ge [sflag:s21], $0x400  }
0x15: {  	[sflag:s21] =	ssyncset.done $0x0  }
0x16: {  	[sflag:s21] =	ssyncadd.s32 $0xFFFFFC00  }
.LBB2_1:
0x17: {  	s0 =	simm.s32 $0x1A900  }
0x18: {  	[tilespmem:s0], [sflag:$0x1] =	stream.strided.gather [hbm4b:s6+s13], $0x1400, s14, s13, $0x38;
	[tilespmem:$0x1FF00] =	vst v63  }
0x19: {  	s17 =	simm.s32 $0x1BD00  }
0x1a: {  	[tilespmem:s17], [sflag:$0x2] =	stream.strided.gather [hbm4b:s7+s13], $0x1400, s14, s13, $0x38;
	[tilespmem:$0x1FF00] =	vst v63  }
0x1b: {  	s18 =	simm.s32 $0x1D100  }
0x1c: {  	[tilespmem:s18], [sflag:$0x3] =	stream.strided.gather [hbm4b:s8+s13], $0x1400, s14, s13, $0x38;
	[tilespmem:$0x1FF00] =	vst v63  }
0x1d: {  	s22 =	simm.s32 $0x1E500;
	s0 =	simm.s32 @!p0 $0x1C05  }
0x1e: {  	[tilespmem:s22], [sflag:$0x4] =	stream.strided.gather [hbm4b:s9+s13], $0x1400, s14, s13, $0x38;
	[tilespmem:$0x1FF00] =	vst v63  }
0x1f: {  	[spmem:s19], [sflag:s0] =	dma.local @!p0 [hbm:s4], $0x3200  }
0x20: {  	s0 =	simm.s32 @!p0 $0x5  }
0x21: {  	_ =	swait.ge @!p0 [sflag:s0], $0x3200  }
0x22: {  	[sflag:s0] =	ssyncset.done @!p0 $0x0  }
0x23: {  	[sflag:s0] =	ssyncadd.s32 @!p0 $0xFFFFCE00  }
0x24: {  	[bflag:$0x0] =	sbarrier.arrive $0xFFFF  }
0x25: {  	[tilespmem:s20], [sflag:$0x5] =	stream.linear.gather [spmem:s2], $0x19000, $0x38;
	[tilespmem:$0x1FF00] =	vst v63  }
0x26: {  	_ =	swait.ge [sflag:s21], $0x19000  }
0x27: {  	[sflag:s21] =	ssyncset.done $0x0  }
0x28: {  	s31 =	simm.s32 $0x1FE00;
	[sflag:s21] =	ssyncadd.s32 $0xFFFE7000  }
0x29: {  	[tilespmem:s31], [sflag:$0x5] =	stream.linear.gather [hbm4b:s5+s3], $0x100, $0x38;
	[tilespmem:$0x1FF00] =	vst v63  }
0x2a: {  	_ =	swait.ge [sflag:s21], $0x100  }
0x2b: {  	[sflag:s21] =	ssyncset.done $0x0  }
0x2c: {  	[sflag:s21] =	ssyncadd.s32 $0xFFFFFF00  }
0x2d: {  	[tilespmem:$0x1FD00] =	vst v0  }
0x2e: {  	[tilespmem:$0x1FD80] =	vst v0  }
0x2f: {  	[tilespmem:$0x1FD10] =	vst v0  }
0x30: {  	[tilespmem:$0x1FD90] =	vst v0  }
0x31: {  	[tilespmem:$0x1FD20] =	vst v0  }
0x32: {  	[tilespmem:$0x1FDA0] =	vst v0  }
0x33: {  	[tilespmem:$0x1FD30] =	vst v0  }
0x34: {  	[tilespmem:$0x1FDB0] =	vst v0  }
0x35: {  	[tilespmem:$0x1FD40] =	vst v0  }
0x36: {  	[tilespmem:$0x1FDC0] =	vst v0  }
0x37: {  	[tilespmem:$0x1FD50] =	vst v0  }
.Ltmp2:
0x38: {  	[tilespmem:$0x1FDD0] =	vst v0;
	(pc) =	sbr.rel .LBB2_2-.Ltmp2, $4  }
0x39: {  	[tilespmem:$0x1FD60] =	vst v0  }
0x3a: {  	[tilespmem:$0x1FDE0] =	vst v0  }
0x3b: {  	v1 =	vld [tilespmem:$0x1FE00];
	[tilespmem:$0x1FD70] =	vst v0  }
0x3c: {  	s30 =	simm.s32 $0x0;
	v2 =	vld [tilespmem:$0x1FE80];
	[tilespmem:$0x1FDF0] =	vst v0  }
.LBB2_26:
0x3d: {  	s30 =	sadd.s32 $0x1, s30  }
0x3e: {  	p1 =	sne.s32 s30, $0x5  }
.Ltmp3:
0x3f: {  	_ = 	snop;
	(pc) =	sbr.rel @!p1 .LBB2_27-.Ltmp3, $1  }
0x40: {  	_ =	sdelay $0x3  }
.LBB2_2:
0x41: {  	_ =	swait.ge [sflag:s23], $0x1400  }
0x42: {  	[sflag:s23] =	ssyncset.done $0x0  }
0x43: {  	s31 =	simm.s32 $0x0;
	s0 =	simm.s32 $0x1AB00;
	[sflag:s23] =	ssyncadd.s32 $0xFFFFEC00  }
.LBB2_3:
0x44: {  	v3 =	vmov s0;
	_ =	sdelay $0x1  }
0x45: {  	s15 =	sshll.u32 s31, $0x4  }
0x46: {  	v14 =	vld [tilespmem:s15+$0x1FD00]  }
0x47: {  	s16 =	simm.s32 $0x0;
	v19 =	vld [tilespmem:s15+$0x1FD80]  }
0x48: {  	v4 =	vld.idx.msk [tilespmem:v3+s16+$0x100 ss:$0x1], $0xffff  }
0x49: {  	v5 =	vld.idx.msk [tilespmem:v3+s16+$0x0 ss:$0x1], $0xffff  }
0x4a: {  	v6 =	vld.idx.msk [tilespmem:v3+s16+$0xFFFFFF00 ss:$0x1], $0xffff  }
0x4b: {  	v7 =	vld.idx.msk [tilespmem:v3+s16+$0xFFFFFE00 ss:$0x1], $0xffff  }
0x4c: {  	v8 =	vld.idx.msk [tilespmem:v3+s16+$0xFFFFFE80 ss:$0x1], $0xffff  }
0x4d: {  	v11 =	vld.idx.msk [tilespmem:v3+s16+$0x180 ss:$0x1], $0xffff  }
0x4e: {  	v9 =	vld.idx.msk [tilespmem:v3+s16+$0xFFFFFF80 ss:$0x1], $0xffff  }
0x4f: {  	v12 =	vld.idx.msk [tilespmem:v3+s16+$0x80 ss:$0x1], $0xffff  }
0x50: {  	v15 =	vld.idx.msk [tilespmem:v4+s20+$0x0], $0xffff  }
0x51: {  	v18 =	vld.idx.msk [tilespmem:v5+s20+$0x0], $0xffff  }
0x52: {  	v17 =	vld.idx.msk [tilespmem:v6+s20+$0x0], $0xffff  }
0x53: {  	v20 =	vld.idx.msk [tilespmem:v7+s20+$0x0], $0xffff  }
0x54: {  	s16 =	simm.s32 $0x400;
	v21 =	vld.idx.msk [tilespmem:v8+s20+$0x0], $0xffff  }
0x55: {  	v7 =	vld.idx.msk [tilespmem:v3+s16+$0x100 ss:$0x1], $0xffff  }
0x56: {  	v13 =	vld.idx.msk [tilespmem:v9+s20+$0x0], $0xffff  }
0x57: {  	v22 =	vimm.f32 $0.0e+00;
	v6 =	vld.idx.msk [tilespmem:v3+s16+$0x0 ss:$0x1], $0xffff  }
0x58: {  	v9 =	vld.idx.msk [tilespmem:v12+s20+$0x0], $0xffff;
	v10 =	vshll.u32 v18, $0x10;
	v4 =	vshll.u32 v15, $0x10;
	v5 =	vand.u32 $0xFFFF0000, v15  }
0x59: {  	v8 =	vld.idx.msk [tilespmem:v3+s16+$0xFFFFFF00 ss:$0x1], $0xffff;
	v16 =	vshll.u32 v17, $0x10;
	v17 =	vand.u32 $0xFFFF0000, v17;
	v15 =	vand.u32 $0xFFFF0000, v18  }
0x5a: {  	v11 =	vld.idx.msk [tilespmem:v11+s20+$0x0], $0xffff;
	v18 =	vshll.u32 v20, $0x10;
	v20 =	vand.u32 $0xFFFF0000, v20;
	v23 =	vshll.u32 v21, $0x10  }
0x5b: {  	v12 =	vld.idx.msk [tilespmem:v3+s16+$0xFFFFFE00 ss:$0x1], $0xffff;
	v21 =	vand.u32 $0xFFFF0000, v21;
	v18 =	vadd.f32 v18, v14;
	v19 =	vadd.f32 v20, v19  }
0x5c: {  	s17 =	simm.s32 $0x2000;
	v14 =	vld.idx.msk [tilespmem:v3+s16+$0xFFFFFE80 ss:$0x1], $0xffff;
	v20 =	vadd.f32 v23, v22;
	v21 =	vadd.f32 v21, v22;
	v22 =	vshll.u32 v13, $0x10  }
.LBB2_4:
0x5d: {  	p1 =	sne.s32 s17, $0x4000;
	v23 =	vld.idx.msk [tilespmem:v3+s16+$0x180 ss:$0x1], $0xffff;
	v16 =	vadd.f32 v16, v18;
	v17 =	vadd.f32 v17, v19;
	v13 =	vand.u32 $0xFFFF0000, v13  }
0x5e: {  	v18 =	vld.idx.msk [tilespmem:v3+s16+$0xFFFFFF80 ss:$0x1], $0xffff;
	v19 =	vadd.f32 v22, v20;
	v13 =	vadd.f32 v13, v21;
	v20 =	vshll.u32 v9, $0x10  }
0x5f: {  	v9 =	vand.u32 $0xFFFF0000, v9;
	v21 =	vld.idx.msk [tilespmem:v3+s16+$0x80 ss:$0x1], $0xffff;
	v10 =	vadd.f32 v10, v16;
	v15 =	vadd.f32 v15, v17  }
0x60: {  	v16 =	vld.idx.msk [tilespmem:v7+s20+$0x0], $0xffff;
	v7 =	vadd.f32 v20, v19;
	v9 =	vadd.f32 v9, v13;
	v13 =	vshll.u32 v11, $0x10  }
0x61: {  	v19 =	vld.idx.msk [tilespmem:v6+s20+$0x0], $0xffff;
	v20 =	vadd.f32 v4, v10;
	v22 =	vadd.f32 v5, v15;
	v4 =	vand.u32 $0xFFFF0000, v11  }
0x62: {  	v11 =	vld.idx.msk [tilespmem:v8+s20+$0x0], $0xffff;
	v24 =	vadd.f32 v13, v7;
	v25 =	vadd.f32 v4, v9  }
0x63: {  	v12 =	vld.idx.msk [tilespmem:v12+s20+$0x0], $0xffff  }
0x64: {  	s16 =	sshra.s32 s17, $0x2;
	v14 =	vld.idx.msk [tilespmem:v14+s20+$0x0], $0xffff  }
0x65: {  	v7 =	vld.idx.msk [tilespmem:v3+s16+$0x100 ss:$0x1], $0xffff  }
0x66: {  	v13 =	vld.idx.msk [tilespmem:v18+s20+$0x0], $0xffff  }
0x67: {  	v6 =	vld.idx.msk [tilespmem:v3+s16+$0x0 ss:$0x1], $0xffff  }
.Ltmp4:
0x68: {  	v4 =	vshll.u32 v16, $0x10;
	v5 =	vand.u32 $0xFFFF0000, v16;
	v10 =	vshll.u32 v19, $0x10;
	v9 =	vld.idx.msk [tilespmem:v21+s20+$0x0], $0xffff;
	(pc) =	sbr.rel @p1 .LBB2_4-.Ltmp4, $4  }
0x69: {  	v15 =	vand.u32 $0xFFFF0000, v19;
	v16 =	vshll.u32 v11, $0x10;
	v17 =	vand.u32 $0xFFFF0000, v11;
	v8 =	vld.idx.msk [tilespmem:v3+s16+$0xFFFFFF00 ss:$0x1], $0xffff  }
0x6a: {  	v18 =	vshll.u32 v12, $0x10;
	v19 =	vand.u32 $0xFFFF0000, v12;
	v21 =	vshll.u32 v14, $0x10;
	v11 =	vld.idx.msk [tilespmem:v23+s20+$0x0], $0xffff  }
0x6b: {  	v18 =	vadd.f32 v18, v20;
	v19 =	vadd.f32 v19, v22;
	v22 =	vand.u32 $0xFFFF0000, v14;
	v12 =	vld.idx.msk [tilespmem:v3+s16+$0xFFFFFE00 ss:$0x1], $0xffff  }
0x6c: {  	s17 =	sadd.s32 $0x1000, s17;
	v20 =	vadd.f32 v21, v24;
	v21 =	vadd.f32 v22, v25;
	v22 =	vshll.u32 v13, $0x10;
	v14 =	vld.idx.msk [tilespmem:v3+s16+$0xFFFFFE80 ss:$0x1], $0xffff  }
0x6d: {  	_ =	sdelay $0x3  }
0x6e: {  	v23 =	vld.idx.msk [tilespmem:v3+s16+$0x180 ss:$0x1], $0xffff  }
0x6f: {  	v24 =	vld.idx.msk [tilespmem:v3+s16+$0xFFFFFF80 ss:$0x1], $0xffff  }
0x70: {  	v3 =	vld.idx.msk [tilespmem:v3+s16+$0x80 ss:$0x1], $0xffff  }
0x71: {  	v7 =	vld.idx.msk [tilespmem:v7+s20+$0x0], $0xffff  }
0x72: {  	v16 =	vadd.f32 v16, v18;
	v17 =	vadd.f32 v17, v19;
	v13 =	vand.u32 $0xFFFF0000, v13;
	v6 =	vld.idx.msk [tilespmem:v6+s20+$0x0], $0xffff  }
0x73: {  	v46 =	vshll.u32 v9, $0x10;
	v45 =	vadd.f32 v22, v20;
	v13 =	vadd.f32 v13, v21;
	v8 =	vld.idx.msk [tilespmem:v8+s20+$0x0], $0xffff  }
0x74: {  	v47 =	vand.u32 $0xFFFF0000, v9;
	v10 =	vadd.f32 v10, v16;
	v15 =	vadd.f32 v15, v17;
	v12 =	vld.idx.msk [tilespmem:v12+s20+$0x0], $0xffff  }
0x75: {  	v49 =	vshll.u32 v11, $0x10;
	v48 =	vadd.f32 v46, v45;
	v9 =	vadd.f32 v47, v13;
	v14 =	vld.idx.msk [tilespmem:v14+s20+$0x0], $0xffff  }
0x76: {  	v50 =	vand.u32 $0xFFFF0000, v11;
	v4 =	vadd.f32 v4, v10;
	v5 =	vadd.f32 v5, v15  }
0x77: {  	v51 =	vadd.f32 v49, v48;
	v9 =	vadd.f32 v50, v9;
	v52 =	vld.idx.msk [tilespmem:v24+s20+$0x0], $0xffff  }
0x78: {  	v53 =	vshll.u32 v6, $0x10;
	v54 =	vshll.u32 v7, $0x10;
	v7 =	vand.u32 $0xFFFF0000, v7  }
0x79: {  	v6 =	vand.u32 $0xFFFF0000, v6;
	v55 =	vshll.u32 v8, $0x10;
	v8 =	vand.u32 $0xFFFF0000, v8;
	v3 =	vld.idx.msk [tilespmem:v3+s20+$0x0], $0xffff  }
0x7a: {  	v56 =	vshll.u32 v12, $0x10;
	v12 =	vand.u32 $0xFFFF0000, v12;
	v57 =	vshll.u32 v14, $0x10  }
0x7b: {  	v58 =	vld.idx.msk [tilespmem:v23+s20+$0x0], $0xffff;
	v4 =	vadd.f32 v56, v4;
	v14 =	vand.u32 $0xFFFF0000, v14;
	v11 =	vadd.f32 v57, v51  }
0x7c: {  	v5 =	vadd.f32 v12, v5;
	v9 =	vadd.f32 v14, v9;
	v59 =	vshll.u32 v52, $0x10  }
0x7d: {  	v4 =	vadd.f32 v55, v4;
	v10 =	vand.u32 $0xFFFF0000, v52;
	v11 =	vadd.f32 v59, v11  }
0x7e: {  	v5 =	vadd.f32 v8, v5;
	v61 =	vshll.u32 v3, $0x10;
	v60 =	vadd.f32 v10, v9  }
0x7f: {  	v4 =	vadd.f32 v53, v4;
	v3 =	vand.u32 $0xFFFF0000, v3;
	v9 =	vadd.f32 v61, v11  }
0x80: {  	s31 =	sadd.s32 $0x1, s31;
	v5 =	vadd.f32 v6, v5;
	v62 =	vshll.u32 v58, $0x10;
	v3 =	vadd.f32 v3, v60  }
0x81: {  	p1 =	sne.s32 s31, $0x8;
	v63 =	vand.u32 $0xFFFF0000, v58;
	v4 =	vadd.f32 v54, v4;
	v6 =	vadd.f32 v62, v9  }
.Ltmp5:
0x82: {  	v5 =	vadd.f32 v7, v5;
	v3 =	vadd.f32 v63, v3;
	(pc) =	sbr.rel @p1 .LBB2_3-.Ltmp5, $4  }
0x83: {  	v4 =	vadd.f32 v6, v4  }
0x84: {  	v3 =	vadd.f32 v3, v5  }
0x85: {  	[tilespmem:s15+$0x1FD00] =	vst v4  }
0x86: {  	s0 =	sadd.s32 $0x10, s0;
	[tilespmem:s15+$0x1FD80] =	vst v3  }
0x87: {  	s31 =	sshll.u32 s30, $0x2;
	p1 =	seq.s32 s30, $0x4  }
0x88: {  	s0 =	sadd.s32 @!p1 $0x4, s31  }
0x89: {  	s15 =	smulhi.u32 @!p1 $0x66666667, s0;
	_ =	sdelay $0x1  }
0x8a: {  	s15 =	sshrl.u32 @!p1 s15, $0x1  }
0x8b: {  	s16 =	smul.u32 @!p1 $0x5, s15  }
0x8c: {  	s17 =	smul.u32 $0x334, s30  }
0x8d: {  	s0 =	ssub.s32 @!p1 s0, s16  }
0x8e: {  	s18 =	sshrl.u32 s17, $0xA;
	s15 =	sadd.s32 @!p1 s10, s15;
	s17 =	smul.u32 @!p1 $0xA0000, s0  }
0x8f: {  	s15 =	sshll.u32 @!p1 s15, $0xA;
	s0 =	sand.u32 $0x3F, s18  }
0x90: {  	s16 =	smul.u32 $0x5, s0;
	s15 =	sadd.s32 @!p1 s17, s15  }
0x91: {  	s22 =	simm.s32 @!p1 $0x1A900;
	s18 =	simm.s32 @!p1 $0x20000;
	s15 =	sshrl.u32 @!p1 s15, $0x3  }
0x92: {  	s17 =	simm.s32 @!p1 $0x400;
	s16 =	ssub.s32 s31, s16;
	s15 =	sadd.s32 @!p1 s1, s15  }
0x93: {  	[tilespmem:s22], [sflag:$0x1] =	stream.strided.gather @!p1 [hbm4b:s15+s17], $0x1400, s18, s17, $0x38;
	[tilespmem:$0x1FF00] =	vst v63  }
0x94: {  	s22 =	sand.u32 $0xFF, s16  }
0x95: {  	p2 =	sne.s32 s22, $0x4  }
.Ltmp6:
0x96: {  	_ = 	snop;
	(pc) =	sbr.rel @p2 .LBB2_8-.Ltmp6, $1  }
0x97: {  	_ =	sdelay $0x3  }
0x98: {  	v3 =	vld [tilespmem:$0x1FD00]  }
0x99: {  	v4 =	vld [tilespmem:$0x1FD80];
	_ =	sdelay $0x3  }
0x9a: {  	v3 =	vmul.f32 $4.999999890e-03, v3  }
0x9b: {  	v4 =	vmul.f32 $4.999999890e-03, v4  }
0x9c: {  	v3 =	vadd.f32 v3, v1  }
0x9d: {  	s0 =	sshll.u32 s0, $0x8;
	v4 =	vadd.f32 v4, v2  }
0x9e: {  	[tilespmem:s0+$0x1F900] =	vst v3  }
0x9f: {  	[tilespmem:s0+$0x1F980] =	vst v4  }
0xa0: {  	v3 =	vld [tilespmem:$0x1FD10]  }
0xa1: {  	v4 =	vld [tilespmem:$0x1FD90];
	_ =	sdelay $0x3  }
0xa2: {  	v3 =	vmul.f32 $4.999999890e-03, v3  }
0xa3: {  	v4 =	vmul.f32 $4.999999890e-03, v4  }
0xa4: {  	[tilespmem:$0x1FD00] =	vst v0;
	v3 =	vadd.f32 v3, v1  }
0xa5: {  	[tilespmem:$0x1FD80] =	vst v0;
	v4 =	vadd.f32 v4, v2  }
0xa6: {  	[tilespmem:s0+$0x1F910] =	vst v3  }
0xa7: {  	[tilespmem:s0+$0x1F990] =	vst v4  }
0xa8: {  	v3 =	vld [tilespmem:$0x1FD20]  }
0xa9: {  	v4 =	vld [tilespmem:$0x1FDA0];
	_ =	sdelay $0x3  }
0xaa: {  	v3 =	vmul.f32 $4.999999890e-03, v3  }
0xab: {  	v4 =	vmul.f32 $4.999999890e-03, v4  }
0xac: {  	[tilespmem:$0x1FD10] =	vst v0;
	v3 =	vadd.f32 v3, v1  }
0xad: {  	[tilespmem:$0x1FD90] =	vst v0;
	v4 =	vadd.f32 v4, v2  }
0xae: {  	[tilespmem:s0+$0x1F920] =	vst v3  }
0xaf: {  	[tilespmem:s0+$0x1F9A0] =	vst v4  }
0xb0: {  	v3 =	vld [tilespmem:$0x1FD30]  }
0xb1: {  	v4 =	vld [tilespmem:$0x1FDB0];
	_ =	sdelay $0x3  }
0xb2: {  	v3 =	vmul.f32 $4.999999890e-03, v3  }
0xb3: {  	v4 =	vmul.f32 $4.999999890e-03, v4  }
0xb4: {  	[tilespmem:$0x1FD20] =	vst v0;
	v3 =	vadd.f32 v3, v1  }
0xb5: {  	[tilespmem:$0x1FDA0] =	vst v0;
	v4 =	vadd.f32 v4, v2  }
0xb6: {  	[tilespmem:s0+$0x1F930] =	vst v3  }
0xb7: {  	[tilespmem:s0+$0x1F9B0] =	vst v4  }
0xb8: {  	v3 =	vld [tilespmem:$0x1FD40]  }
0xb9: {  	v4 =	vld [tilespmem:$0x1FDC0];
	_ =	sdelay $0x3  }
0xba: {  	v3 =	vmul.f32 $4.999999890e-03, v3  }
0xbb: {  	v4 =	vmul.f32 $4.999999890e-03, v4  }
0xbc: {  	[tilespmem:$0x1FD30] =	vst v0;
	v3 =	vadd.f32 v3, v1  }
0xbd: {  	[tilespmem:$0x1FDB0] =	vst v0;
	v4 =	vadd.f32 v4, v2  }
0xbe: {  	[tilespmem:s0+$0x1F940] =	vst v3  }
0xbf: {  	[tilespmem:s0+$0x1F9C0] =	vst v4  }
0xc0: {  	v3 =	vld [tilespmem:$0x1FD50]  }
0xc1: {  	v4 =	vld [tilespmem:$0x1FDD0];
	_ =	sdelay $0x3  }
0xc2: {  	v3 =	vmul.f32 $4.999999890e-03, v3  }
0xc3: {  	v4 =	vmul.f32 $4.999999890e-03, v4  }
0xc4: {  	[tilespmem:$0x1FD40] =	vst v0;
	v3 =	vadd.f32 v3, v1  }
0xc5: {  	[tilespmem:$0x1FDC0] =	vst v0;
	v4 =	vadd.f32 v4, v2  }
0xc6: {  	[tilespmem:s0+$0x1F950] =	vst v3  }
0xc7: {  	[tilespmem:s0+$0x1F9D0] =	vst v4  }
0xc8: {  	v3 =	vld [tilespmem:$0x1FD60]  }
0xc9: {  	v4 =	vld [tilespmem:$0x1FDE0];
	_ =	sdelay $0x3  }
0xca: {  	v3 =	vmul.f32 $4.999999890e-03, v3  }
0xcb: {  	v4 =	vmul.f32 $4.999999890e-03, v4  }
0xcc: {  	[tilespmem:$0x1FD50] =	vst v0;
	v3 =	vadd.f32 v3, v1  }
0xcd: {  	[tilespmem:$0x1FDD0] =	vst v0;
	v4 =	vadd.f32 v4, v2  }
0xce: {  	[tilespmem:s0+$0x1F960] =	vst v3  }
0xcf: {  	[tilespmem:s0+$0x1F9E0] =	vst v4  }
0xd0: {  	v3 =	vld [tilespmem:$0x1FD70]  }
0xd1: {  	v4 =	vld [tilespmem:$0x1FDF0];
	_ =	sdelay $0x3  }
0xd2: {  	v3 =	vmul.f32 $4.999999890e-03, v3  }
0xd3: {  	v4 =	vmul.f32 $4.999999890e-03, v4  }
0xd4: {  	[tilespmem:$0x1FD60] =	vst v0;
	v3 =	vadd.f32 v3, v1  }
0xd5: {  	[tilespmem:$0x1FDE0] =	vst v0;
	v4 =	vadd.f32 v4, v2  }
0xd6: {  	[tilespmem:s0+$0x1F970] =	vst v3  }
0xd7: {  	[tilespmem:s0+$0x1F9F0] =	vst v4  }
0xd8: {  	[tilespmem:$0x1FD70] =	vst v0  }
0xd9: {  	[tilespmem:$0x1FDF0] =	vst v0  }
.LBB2_8:
0xda: {  	_ =	swait.ge [sflag:s24], $0x1400  }
0xdb: {  	[sflag:s24] =	ssyncset.done $0x0  }
0xdc: {  	s0 =	simm.s32 $0x0;
	s15 =	simm.s32 $0x1BF00;
	[sflag:s24] =	ssyncadd.s32 $0xFFFFEC00  }
.LBB2_9:
0xdd: {  	v3 =	vmov s15;
	_ =	sdelay $0x1  }
0xde: {  	s16 =	sshll.u32 s0, $0x4  }
0xdf: {  	v14 =	vld [tilespmem:s16+$0x1FD00]  }
0xe0: {  	s17 =	simm.s32 $0x0;
	v19 =	vld [tilespmem:s16+$0x1FD80]  }
0xe1: {  	v4 =	vld.idx.msk [tilespmem:v3+s17+$0x100 ss:$0x1], $0xffff  }
0xe2: {  	v5 =	vld.idx.msk [tilespmem:v3+s17+$0x0 ss:$0x1], $0xffff  }
0xe3: {  	v6 =	vld.idx.msk [tilespmem:v3+s17+$0xFFFFFF00 ss:$0x1], $0xffff  }
0xe4: {  	v7 =	vld.idx.msk [tilespmem:v3+s17+$0xFFFFFE00 ss:$0x1], $0xffff  }
0xe5: {  	v8 =	vld.idx.msk [tilespmem:v3+s17+$0xFFFFFE80 ss:$0x1], $0xffff  }
0xe6: {  	v11 =	vld.idx.msk [tilespmem:v3+s17+$0x180 ss:$0x1], $0xffff  }
0xe7: {  	v9 =	vld.idx.msk [tilespmem:v3+s17+$0xFFFFFF80 ss:$0x1], $0xffff  }
0xe8: {  	v12 =	vld.idx.msk [tilespmem:v3+s17+$0x80 ss:$0x1], $0xffff  }
0xe9: {  	v15 =	vld.idx.msk [tilespmem:v4+s20+$0x0], $0xffff  }
0xea: {  	v18 =	vld.idx.msk [tilespmem:v5+s20+$0x0], $0xffff  }
0xeb: {  	v17 =	vld.idx.msk [tilespmem:v6+s20+$0x0], $0xffff  }
0xec: {  	v20 =	vld.idx.msk [tilespmem:v7+s20+$0x0], $0xffff  }
0xed: {  	s17 =	simm.s32 $0x400;
	v21 =	vld.idx.msk [tilespmem:v8+s20+$0x0], $0xffff  }
0xee: {  	v7 =	vld.idx.msk [tilespmem:v3+s17+$0x100 ss:$0x1], $0xffff  }
0xef: {  	v13 =	vld.idx.msk [tilespmem:v9+s20+$0x0], $0xffff  }
0xf0: {  	v22 =	vimm.f32 $0.0e+00;
	v6 =	vld.idx.msk [tilespmem:v3+s17+$0x0 ss:$0x1], $0xffff  }
0xf1: {  	v9 =	vld.idx.msk [tilespmem:v12+s20+$0x0], $0xffff;
	v10 =	vshll.u32 v18, $0x10;
	v4 =	vshll.u32 v15, $0x10;
	v5 =	vand.u32 $0xFFFF0000, v15  }
0xf2: {  	v8 =	vld.idx.msk [tilespmem:v3+s17+$0xFFFFFF00 ss:$0x1], $0xffff;
	v16 =	vshll.u32 v17, $0x10;
	v17 =	vand.u32 $0xFFFF0000, v17;
	v15 =	vand.u32 $0xFFFF0000, v18  }
0xf3: {  	v11 =	vld.idx.msk [tilespmem:v11+s20+$0x0], $0xffff;
	v18 =	vshll.u32 v20, $0x10;
	v20 =	vand.u32 $0xFFFF0000, v20;
	v23 =	vshll.u32 v21, $0x10  }
0xf4: {  	v12 =	vld.idx.msk [tilespmem:v3+s17+$0xFFFFFE00 ss:$0x1], $0xffff;
	v21 =	vand.u32 $0xFFFF0000, v21;
	v18 =	vadd.f32 v18, v14;
	v19 =	vadd.f32 v20, v19  }
0xf5: {  	s18 =	simm.s32 $0x2000;
	v14 =	vld.idx.msk [tilespmem:v3+s17+$0xFFFFFE80 ss:$0x1], $0xffff;
	v20 =	vadd.f32 v23, v22;
	v21 =	vadd.f32 v21, v22;
	v22 =	vshll.u32 v13, $0x10  }
.LBB2_10:
0xf6: {  	p2 =	sne.s32 s18, $0x4000;
	v23 =	vld.idx.msk [tilespmem:v3+s17+$0x180 ss:$0x1], $0xffff;
	v16 =	vadd.f32 v16, v18;
	v17 =	vadd.f32 v17, v19;
	v13 =	vand.u32 $0xFFFF0000, v13  }
0xf7: {  	v18 =	vld.idx.msk [tilespmem:v3+s17+$0xFFFFFF80 ss:$0x1], $0xffff;
	v19 =	vadd.f32 v22, v20;
	v13 =	vadd.f32 v13, v21;
	v20 =	vshll.u32 v9, $0x10  }
0xf8: {  	v9 =	vand.u32 $0xFFFF0000, v9;
	v21 =	vld.idx.msk [tilespmem:v3+s17+$0x80 ss:$0x1], $0xffff;
	v10 =	vadd.f32 v10, v16;
	v15 =	vadd.f32 v15, v17  }
0xf9: {  	v16 =	vld.idx.msk [tilespmem:v7+s20+$0x0], $0xffff;
	v7 =	vadd.f32 v20, v19;
	v9 =	vadd.f32 v9, v13;
	v13 =	vshll.u32 v11, $0x10  }
0xfa: {  	v19 =	vld.idx.msk [tilespmem:v6+s20+$0x0], $0xffff;
	v20 =	vadd.f32 v4, v10;
	v22 =	vadd.f32 v5, v15;
	v4 =	vand.u32 $0xFFFF0000, v11  }
0xfb: {  	v11 =	vld.idx.msk [tilespmem:v8+s20+$0x0], $0xffff;
	v24 =	vadd.f32 v13, v7;
	v25 =	vadd.f32 v4, v9  }
0xfc: {  	v12 =	vld.idx.msk [tilespmem:v12+s20+$0x0], $0xffff  }
0xfd: {  	s17 =	sshra.s32 s18, $0x2;
	v14 =	vld.idx.msk [tilespmem:v14+s20+$0x0], $0xffff  }
0xfe: {  	v7 =	vld.idx.msk [tilespmem:v3+s17+$0x100 ss:$0x1], $0xffff  }
0xff: {  	v13 =	vld.idx.msk [tilespmem:v18+s20+$0x0], $0xffff  }
0x100: {  	v6 =	vld.idx.msk [tilespmem:v3+s17+$0x0 ss:$0x1], $0xffff  }
.Ltmp7:
0x101: {  	v4 =	vshll.u32 v16, $0x10;
	v5 =	vand.u32 $0xFFFF0000, v16;
	v10 =	vshll.u32 v19, $0x10;
	v9 =	vld.idx.msk [tilespmem:v21+s20+$0x0], $0xffff;
	(pc) =	sbr.rel @p2 .LBB2_10-.Ltmp7, $4  }
0x102: {  	v15 =	vand.u32 $0xFFFF0000, v19;
	v16 =	vshll.u32 v11, $0x10;
	v17 =	vand.u32 $0xFFFF0000, v11;
	v8 =	vld.idx.msk [tilespmem:v3+s17+$0xFFFFFF00 ss:$0x1], $0xffff  }
0x103: {  	v18 =	vshll.u32 v12, $0x10;
	v19 =	vand.u32 $0xFFFF0000, v12;
	v21 =	vshll.u32 v14, $0x10;
	v11 =	vld.idx.msk [tilespmem:v23+s20+$0x0], $0xffff  }
0x104: {  	v18 =	vadd.f32 v18, v20;
	v19 =	vadd.f32 v19, v22;
	v22 =	vand.u32 $0xFFFF0000, v14;
	v12 =	vld.idx.msk [tilespmem:v3+s17+$0xFFFFFE00 ss:$0x1], $0xffff  }
0x105: {  	s18 =	sadd.s32 $0x1000, s18;
	v20 =	vadd.f32 v21, v24;
	v21 =	vadd.f32 v22, v25;
	v22 =	vshll.u32 v13, $0x10;
	v14 =	vld.idx.msk [tilespmem:v3+s17+$0xFFFFFE80 ss:$0x1], $0xffff  }
0x106: {  	_ =	sdelay $0x3  }
0x107: {  	v23 =	vld.idx.msk [tilespmem:v3+s17+$0x180 ss:$0x1], $0xffff  }
0x108: {  	v24 =	vld.idx.msk [tilespmem:v3+s17+$0xFFFFFF80 ss:$0x1], $0xffff  }
0x109: {  	v3 =	vld.idx.msk [tilespmem:v3+s17+$0x80 ss:$0x1], $0xffff  }
0x10a: {  	v7 =	vld.idx.msk [tilespmem:v7+s20+$0x0], $0xffff  }
0x10b: {  	v16 =	vadd.f32 v16, v18;
	v17 =	vadd.f32 v17, v19;
	v13 =	vand.u32 $0xFFFF0000, v13;
	v6 =	vld.idx.msk [tilespmem:v6+s20+$0x0], $0xffff  }
0x10c: {  	v46 =	vshll.u32 v9, $0x10;
	v45 =	vadd.f32 v22, v20;
	v13 =	vadd.f32 v13, v21;
	v8 =	vld.idx.msk [tilespmem:v8+s20+$0x0], $0xffff  }
0x10d: {  	v47 =	vand.u32 $0xFFFF0000, v9;
	v10 =	vadd.f32 v10, v16;
	v15 =	vadd.f32 v15, v17;
	v12 =	vld.idx.msk [tilespmem:v12+s20+$0x0], $0xffff  }
0x10e: {  	v49 =	vshll.u32 v11, $0x10;
	v48 =	vadd.f32 v46, v45;
	v9 =	vadd.f32 v47, v13;
	v14 =	vld.idx.msk [tilespmem:v14+s20+$0x0], $0xffff  }
0x10f: {  	v50 =	vand.u32 $0xFFFF0000, v11;
	v4 =	vadd.f32 v4, v10;
	v5 =	vadd.f32 v5, v15  }
0x110: {  	v51 =	vadd.f32 v49, v48;
	v9 =	vadd.f32 v50, v9;
	v52 =	vld.idx.msk [tilespmem:v24+s20+$0x0], $0xffff  }
0x111: {  	v53 =	vshll.u32 v6, $0x10;
	v54 =	vshll.u32 v7, $0x10;
	v7 =	vand.u32 $0xFFFF0000, v7  }
0x112: {  	v6 =	vand.u32 $0xFFFF0000, v6;
	v55 =	vshll.u32 v8, $0x10;
	v8 =	vand.u32 $0xFFFF0000, v8;
	v3 =	vld.idx.msk [tilespmem:v3+s20+$0x0], $0xffff  }
0x113: {  	v56 =	vshll.u32 v12, $0x10;
	v12 =	vand.u32 $0xFFFF0000, v12;
	v57 =	vshll.u32 v14, $0x10  }
0x114: {  	v58 =	vld.idx.msk [tilespmem:v23+s20+$0x0], $0xffff;
	v4 =	vadd.f32 v56, v4;
	v14 =	vand.u32 $0xFFFF0000, v14;
	v11 =	vadd.f32 v57, v51  }
0x115: {  	v5 =	vadd.f32 v12, v5;
	v9 =	vadd.f32 v14, v9;
	v59 =	vshll.u32 v52, $0x10  }
0x116: {  	v4 =	vadd.f32 v55, v4;
	v10 =	vand.u32 $0xFFFF0000, v52;
	v11 =	vadd.f32 v59, v11  }
0x117: {  	v5 =	vadd.f32 v8, v5;
	v61 =	vshll.u32 v3, $0x10;
	v60 =	vadd.f32 v10, v9  }
0x118: {  	v4 =	vadd.f32 v53, v4;
	v3 =	vand.u32 $0xFFFF0000, v3;
	v9 =	vadd.f32 v61, v11  }
0x119: {  	s0 =	sadd.s32 $0x1, s0;
	v5 =	vadd.f32 v6, v5;
	v62 =	vshll.u32 v58, $0x10;
	v3 =	vadd.f32 v3, v60  }
0x11a: {  	p2 =	sne.s32 s0, $0x8;
	v63 =	vand.u32 $0xFFFF0000, v58;
	v4 =	vadd.f32 v54, v4;
	v6 =	vadd.f32 v62, v9  }
.Ltmp8:
0x11b: {  	v5 =	vadd.f32 v7, v5;
	v3 =	vadd.f32 v63, v3;
	(pc) =	sbr.rel @p2 .LBB2_9-.Ltmp8, $4  }
0x11c: {  	v4 =	vadd.f32 v6, v4  }
0x11d: {  	v3 =	vadd.f32 v3, v5  }
0x11e: {  	[tilespmem:s16+$0x1FD00] =	vst v4  }
0x11f: {  	s15 =	sadd.s32 $0x10, s15;
	[tilespmem:s16+$0x1FD80] =	vst v3  }
0x120: {  	s0 =	sadd.s32 @!p1 $0x5, s31  }
0x121: {  	s15 =	smulhi.u32 @!p1 $0x66666667, s0;
	_ =	sdelay $0x1  }
0x122: {  	s15 =	sshrl.u32 @!p1 s15, $0x1  }
0x123: {  	s17 =	sor.u32 $0x1, s31;
	s16 =	smul.u32 @!p1 $0x5, s15  }
0x124: {  	s18 =	smulhi.u32 $0x66666667, s17  }
0x125: {  	s0 =	ssub.s32 @!p1 s0, s16  }
0x126: {  	s16 =	smul.u32 @!p1 $0xA0000, s0;
	s0 =	sshrl.u32 s18, $0x1  }
0x127: {  	s15 =	sadd.s32 @!p1 s10, s15;
	s18 =	smul.u32 $0x5, s0  }
0x128: {  	s15 =	sshll.u32 @!p1 s15, $0xA  }
0x129: {  	s15 =	sadd.s32 @!p1 s16, s15;
	s16 =	ssub.s32 s17, s18  }
0x12a: {  	p2 =	sne.s32 s16, $0x4  }
.Ltmp9:
0x12b: {  	_ = 	snop;
	(pc) =	sbr.rel @p2 .LBB2_14-.Ltmp9, $4  }
0x12c: {  	_ = 	snop  }
0x12d: {  	s22 =	simm.s32 @!p1 $0x1BD00;
	s15 =	sshrl.u32 @!p1 s15, $0x3  }
0x12e: {  	s17 =	simm.s32 @!p1 $0x400;
	s18 =	simm.s32 @!p1 $0x20000;
	s15 =	sadd.s32 @!p1 s1, s15  }
0x12f: {  	[tilespmem:s22], [sflag:$0x2] =	stream.strided.gather @!p1 [hbm4b:s15+s17], $0x1400, s18, s17, $0x38;
	[tilespmem:$0x1FF00] =	vst v63  }
0x130: {  	v3 =	vld [tilespmem:$0x1FD00]  }
0x131: {  	v4 =	vld [tilespmem:$0x1FD80];
	_ =	sdelay $0x3  }
0x132: {  	v3 =	vmul.f32 $4.999999890e-03, v3  }
0x133: {  	v4 =	vmul.f32 $4.999999890e-03, v4  }
0x134: {  	s0 =	sshll.u32 s0, $0x8;
	v3 =	vadd.f32 v3, v1  }
0x135: {  	s0 =	sand.u32 $0x3FFFFF00, s0;
	v4 =	vadd.f32 v4, v2  }
0x136: {  	[tilespmem:s0+$0x1F900] =	vst v3  }
0x137: {  	[tilespmem:s0+$0x1F980] =	vst v4  }
0x138: {  	v3 =	vld [tilespmem:$0x1FD10]  }
0x139: {  	v4 =	vld [tilespmem:$0x1FD90];
	_ =	sdelay $0x3  }
0x13a: {  	v3 =	vmul.f32 $4.999999890e-03, v3  }
0x13b: {  	v4 =	vmul.f32 $4.999999890e-03, v4  }
0x13c: {  	[tilespmem:$0x1FD00] =	vst v0;
	v3 =	vadd.f32 v3, v1  }
0x13d: {  	[tilespmem:$0x1FD80] =	vst v0;
	v4 =	vadd.f32 v4, v2  }
0x13e: {  	[tilespmem:s0+$0x1F910] =	vst v3  }
0x13f: {  	[tilespmem:s0+$0x1F990] =	vst v4  }
0x140: {  	v3 =	vld [tilespmem:$0x1FD20]  }
0x141: {  	v4 =	vld [tilespmem:$0x1FDA0];
	_ =	sdelay $0x3  }
0x142: {  	v3 =	vmul.f32 $4.999999890e-03, v3  }
0x143: {  	v4 =	vmul.f32 $4.999999890e-03, v4  }
0x144: {  	[tilespmem:$0x1FD10] =	vst v0;
	v3 =	vadd.f32 v3, v1  }
0x145: {  	[tilespmem:$0x1FD90] =	vst v0;
	v4 =	vadd.f32 v4, v2  }
0x146: {  	[tilespmem:s0+$0x1F920] =	vst v3  }
0x147: {  	[tilespmem:s0+$0x1F9A0] =	vst v4  }
0x148: {  	v3 =	vld [tilespmem:$0x1FD30]  }
0x149: {  	v4 =	vld [tilespmem:$0x1FDB0];
	_ =	sdelay $0x3  }
0x14a: {  	v3 =	vmul.f32 $4.999999890e-03, v3  }
0x14b: {  	v4 =	vmul.f32 $4.999999890e-03, v4  }
0x14c: {  	[tilespmem:$0x1FD20] =	vst v0;
	v3 =	vadd.f32 v3, v1  }
0x14d: {  	[tilespmem:$0x1FDA0] =	vst v0;
	v4 =	vadd.f32 v4, v2  }
0x14e: {  	[tilespmem:s0+$0x1F930] =	vst v3  }
0x14f: {  	[tilespmem:s0+$0x1F9B0] =	vst v4  }
0x150: {  	v3 =	vld [tilespmem:$0x1FD40]  }
0x151: {  	v4 =	vld [tilespmem:$0x1FDC0];
	_ =	sdelay $0x3  }
0x152: {  	v3 =	vmul.f32 $4.999999890e-03, v3  }
0x153: {  	v4 =	vmul.f32 $4.999999890e-03, v4  }
0x154: {  	[tilespmem:$0x1FD30] =	vst v0;
	v3 =	vadd.f32 v3, v1  }
0x155: {  	[tilespmem:$0x1FDB0] =	vst v0;
	v4 =	vadd.f32 v4, v2  }
0x156: {  	[tilespmem:s0+$0x1F940] =	vst v3  }
0x157: {  	[tilespmem:s0+$0x1F9C0] =	vst v4  }
0x158: {  	v3 =	vld [tilespmem:$0x1FD50]  }
0x159: {  	v4 =	vld [tilespmem:$0x1FDD0];
	_ =	sdelay $0x3  }
0x15a: {  	v3 =	vmul.f32 $4.999999890e-03, v3  }
0x15b: {  	v4 =	vmul.f32 $4.999999890e-03, v4  }
0x15c: {  	[tilespmem:$0x1FD40] =	vst v0;
	v3 =	vadd.f32 v3, v1  }
0x15d: {  	[tilespmem:$0x1FDC0] =	vst v0;
	v4 =	vadd.f32 v4, v2  }
0x15e: {  	[tilespmem:s0+$0x1F950] =	vst v3  }
0x15f: {  	[tilespmem:s0+$0x1F9D0] =	vst v4  }
0x160: {  	v3 =	vld [tilespmem:$0x1FD60]  }
0x161: {  	v4 =	vld [tilespmem:$0x1FDE0];
	_ =	sdelay $0x3  }
0x162: {  	v3 =	vmul.f32 $4.999999890e-03, v3  }
0x163: {  	v4 =	vmul.f32 $4.999999890e-03, v4  }
0x164: {  	[tilespmem:$0x1FD50] =	vst v0;
	v3 =	vadd.f32 v3, v1  }
0x165: {  	[tilespmem:$0x1FDD0] =	vst v0;
	v4 =	vadd.f32 v4, v2  }
0x166: {  	[tilespmem:s0+$0x1F960] =	vst v3  }
0x167: {  	[tilespmem:s0+$0x1F9E0] =	vst v4  }
0x168: {  	v3 =	vld [tilespmem:$0x1FD70]  }
0x169: {  	v4 =	vld [tilespmem:$0x1FDF0];
	_ =	sdelay $0x3  }
0x16a: {  	v3 =	vmul.f32 $4.999999890e-03, v3  }
0x16b: {  	v4 =	vmul.f32 $4.999999890e-03, v4  }
0x16c: {  	[tilespmem:$0x1FD60] =	vst v0;
	v3 =	vadd.f32 v3, v1  }
0x16d: {  	[tilespmem:$0x1FDE0] =	vst v0;
	v4 =	vadd.f32 v4, v2  }
0x16e: {  	[tilespmem:s0+$0x1F970] =	vst v3  }
0x16f: {  	[tilespmem:s0+$0x1F9F0] =	vst v4  }
0x170: {  	[tilespmem:$0x1FD70] =	vst v0  }
0x171: {  	[tilespmem:$0x1FDF0] =	vst v0  }
.LBB2_14:
0x172: {  	_ =	swait.ge [sflag:s25], $0x1400  }
0x173: {  	[sflag:s25] =	ssyncset.done $0x0  }
0x174: {  	s0 =	simm.s32 $0x0;
	s15 =	simm.s32 $0x1D300;
	[sflag:s25] =	ssyncadd.s32 $0xFFFFEC00  }
.LBB2_15:
0x175: {  	v3 =	vmov s15;
	_ =	sdelay $0x1  }
0x176: {  	s16 =	sshll.u32 s0, $0x4  }
0x177: {  	v14 =	vld [tilespmem:s16+$0x1FD00]  }
0x178: {  	s17 =	simm.s32 $0x0;
	v19 =	vld [tilespmem:s16+$0x1FD80]  }
0x179: {  	v4 =	vld.idx.msk [tilespmem:v3+s17+$0x100 ss:$0x1], $0xffff  }
0x17a: {  	v5 =	vld.idx.msk [tilespmem:v3+s17+$0x0 ss:$0x1], $0xffff  }
0x17b: {  	v6 =	vld.idx.msk [tilespmem:v3+s17+$0xFFFFFF00 ss:$0x1], $0xffff  }
0x17c: {  	v7 =	vld.idx.msk [tilespmem:v3+s17+$0xFFFFFE00 ss:$0x1], $0xffff  }
0x17d: {  	v8 =	vld.idx.msk [tilespmem:v3+s17+$0xFFFFFE80 ss:$0x1], $0xffff  }
0x17e: {  	v11 =	vld.idx.msk [tilespmem:v3+s17+$0x180 ss:$0x1], $0xffff  }
0x17f: {  	v9 =	vld.idx.msk [tilespmem:v3+s17+$0xFFFFFF80 ss:$0x1], $0xffff  }
0x180: {  	v12 =	vld.idx.msk [tilespmem:v3+s17+$0x80 ss:$0x1], $0xffff  }
0x181: {  	v15 =	vld.idx.msk [tilespmem:v4+s20+$0x0], $0xffff  }
0x182: {  	v18 =	vld.idx.msk [tilespmem:v5+s20+$0x0], $0xffff  }
0x183: {  	v17 =	vld.idx.msk [tilespmem:v6+s20+$0x0], $0xffff  }
0x184: {  	v20 =	vld.idx.msk [tilespmem:v7+s20+$0x0], $0xffff  }
0x185: {  	s17 =	simm.s32 $0x400;
	v21 =	vld.idx.msk [tilespmem:v8+s20+$0x0], $0xffff  }
0x186: {  	v7 =	vld.idx.msk [tilespmem:v3+s17+$0x100 ss:$0x1], $0xffff  }
0x187: {  	v13 =	vld.idx.msk [tilespmem:v9+s20+$0x0], $0xffff  }
0x188: {  	v22 =	vimm.f32 $0.0e+00;
	v6 =	vld.idx.msk [tilespmem:v3+s17+$0x0 ss:$0x1], $0xffff  }
0x189: {  	v9 =	vld.idx.msk [tilespmem:v12+s20+$0x0], $0xffff;
	v10 =	vshll.u32 v18, $0x10;
	v4 =	vshll.u32 v15, $0x10;
	v5 =	vand.u32 $0xFFFF0000, v15  }
0x18a: {  	v8 =	vld.idx.msk [tilespmem:v3+s17+$0xFFFFFF00 ss:$0x1], $0xffff;
	v16 =	vshll.u32 v17, $0x10;
	v17 =	vand.u32 $0xFFFF0000, v17;
	v15 =	vand.u32 $0xFFFF0000, v18  }
0x18b: {  	v11 =	vld.idx.msk [tilespmem:v11+s20+$0x0], $0xffff;
	v18 =	vshll.u32 v20, $0x10;
	v20 =	vand.u32 $0xFFFF0000, v20;
	v23 =	vshll.u32 v21, $0x10  }
0x18c: {  	v12 =	vld.idx.msk [tilespmem:v3+s17+$0xFFFFFE00 ss:$0x1], $0xffff;
	v21 =	vand.u32 $0xFFFF0000, v21;
	v18 =	vadd.f32 v18, v14;
	v19 =	vadd.f32 v20, v19  }
0x18d: {  	s18 =	simm.s32 $0x2000;
	v14 =	vld.idx.msk [tilespmem:v3+s17+$0xFFFFFE80 ss:$0x1], $0xffff;
	v20 =	vadd.f32 v23, v22;
	v21 =	vadd.f32 v21, v22;
	v22 =	vshll.u32 v13, $0x10  }
.LBB2_16:
0x18e: {  	p2 =	sne.s32 s18, $0x4000;
	v23 =	vld.idx.msk [tilespmem:v3+s17+$0x180 ss:$0x1], $0xffff;
	v16 =	vadd.f32 v16, v18;
	v17 =	vadd.f32 v17, v19;
	v13 =	vand.u32 $0xFFFF0000, v13  }
0x18f: {  	v18 =	vld.idx.msk [tilespmem:v3+s17+$0xFFFFFF80 ss:$0x1], $0xffff;
	v19 =	vadd.f32 v22, v20;
	v13 =	vadd.f32 v13, v21;
	v20 =	vshll.u32 v9, $0x10  }
0x190: {  	v9 =	vand.u32 $0xFFFF0000, v9;
	v21 =	vld.idx.msk [tilespmem:v3+s17+$0x80 ss:$0x1], $0xffff;
	v10 =	vadd.f32 v10, v16;
	v15 =	vadd.f32 v15, v17  }
0x191: {  	v16 =	vld.idx.msk [tilespmem:v7+s20+$0x0], $0xffff;
	v7 =	vadd.f32 v20, v19;
	v9 =	vadd.f32 v9, v13;
	v13 =	vshll.u32 v11, $0x10  }
0x192: {  	v19 =	vld.idx.msk [tilespmem:v6+s20+$0x0], $0xffff;
	v20 =	vadd.f32 v4, v10;
	v22 =	vadd.f32 v5, v15;
	v4 =	vand.u32 $0xFFFF0000, v11  }
0x193: {  	v11 =	vld.idx.msk [tilespmem:v8+s20+$0x0], $0xffff;
	v24 =	vadd.f32 v13, v7;
	v25 =	vadd.f32 v4, v9  }
0x194: {  	v12 =	vld.idx.msk [tilespmem:v12+s20+$0x0], $0xffff  }
0x195: {  	s17 =	sshra.s32 s18, $0x2;
	v14 =	vld.idx.msk [tilespmem:v14+s20+$0x0], $0xffff  }
0x196: {  	v7 =	vld.idx.msk [tilespmem:v3+s17+$0x100 ss:$0x1], $0xffff  }
0x197: {  	v13 =	vld.idx.msk [tilespmem:v18+s20+$0x0], $0xffff  }
0x198: {  	v6 =	vld.idx.msk [tilespmem:v3+s17+$0x0 ss:$0x1], $0xffff  }
.Ltmp10:
0x199: {  	v4 =	vshll.u32 v16, $0x10;
	v5 =	vand.u32 $0xFFFF0000, v16;
	v10 =	vshll.u32 v19, $0x10;
	v9 =	vld.idx.msk [tilespmem:v21+s20+$0x0], $0xffff;
	(pc) =	sbr.rel @p2 .LBB2_16-.Ltmp10, $4  }
0x19a: {  	v15 =	vand.u32 $0xFFFF0000, v19;
	v16 =	vshll.u32 v11, $0x10;
	v17 =	vand.u32 $0xFFFF0000, v11;
	v8 =	vld.idx.msk [tilespmem:v3+s17+$0xFFFFFF00 ss:$0x1], $0xffff  }
0x19b: {  	v18 =	vshll.u32 v12, $0x10;
	v19 =	vand.u32 $0xFFFF0000, v12;
	v21 =	vshll.u32 v14, $0x10;
	v11 =	vld.idx.msk [tilespmem:v23+s20+$0x0], $0xffff  }
0x19c: {  	v18 =	vadd.f32 v18, v20;
	v19 =	vadd.f32 v19, v22;
	v22 =	vand.u32 $0xFFFF0000, v14;
	v12 =	vld.idx.msk [tilespmem:v3+s17+$0xFFFFFE00 ss:$0x1], $0xffff  }
0x19d: {  	s18 =	sadd.s32 $0x1000, s18;
	v20 =	vadd.f32 v21, v24;
	v21 =	vadd.f32 v22, v25;
	v22 =	vshll.u32 v13, $0x10;
	v14 =	vld.idx.msk [tilespmem:v3+s17+$0xFFFFFE80 ss:$0x1], $0xffff  }
0x19e: {  	_ =	sdelay $0x3  }
0x19f: {  	v23 =	vld.idx.msk [tilespmem:v3+s17+$0x180 ss:$0x1], $0xffff  }
0x1a0: {  	v24 =	vld.idx.msk [tilespmem:v3+s17+$0xFFFFFF80 ss:$0x1], $0xffff  }
0x1a1: {  	v3 =	vld.idx.msk [tilespmem:v3+s17+$0x80 ss:$0x1], $0xffff  }
0x1a2: {  	v7 =	vld.idx.msk [tilespmem:v7+s20+$0x0], $0xffff  }
0x1a3: {  	v16 =	vadd.f32 v16, v18;
	v17 =	vadd.f32 v17, v19;
	v13 =	vand.u32 $0xFFFF0000, v13;
	v6 =	vld.idx.msk [tilespmem:v6+s20+$0x0], $0xffff  }
0x1a4: {  	v46 =	vshll.u32 v9, $0x10;
	v45 =	vadd.f32 v22, v20;
	v13 =	vadd.f32 v13, v21;
	v8 =	vld.idx.msk [tilespmem:v8+s20+$0x0], $0xffff  }
0x1a5: {  	v47 =	vand.u32 $0xFFFF0000, v9;
	v10 =	vadd.f32 v10, v16;
	v15 =	vadd.f32 v15, v17;
	v12 =	vld.idx.msk [tilespmem:v12+s20+$0x0], $0xffff  }
0x1a6: {  	v49 =	vshll.u32 v11, $0x10;
	v48 =	vadd.f32 v46, v45;
	v9 =	vadd.f32 v47, v13;
	v14 =	vld.idx.msk [tilespmem:v14+s20+$0x0], $0xffff  }
0x1a7: {  	v50 =	vand.u32 $0xFFFF0000, v11;
	v4 =	vadd.f32 v4, v10;
	v5 =	vadd.f32 v5, v15  }
0x1a8: {  	v51 =	vadd.f32 v49, v48;
	v9 =	vadd.f32 v50, v9;
	v52 =	vld.idx.msk [tilespmem:v24+s20+$0x0], $0xffff  }
0x1a9: {  	v53 =	vshll.u32 v6, $0x10;
	v54 =	vshll.u32 v7, $0x10;
	v7 =	vand.u32 $0xFFFF0000, v7  }
0x1aa: {  	v6 =	vand.u32 $0xFFFF0000, v6;
	v55 =	vshll.u32 v8, $0x10;
	v8 =	vand.u32 $0xFFFF0000, v8;
	v3 =	vld.idx.msk [tilespmem:v3+s20+$0x0], $0xffff  }
0x1ab: {  	v56 =	vshll.u32 v12, $0x10;
	v12 =	vand.u32 $0xFFFF0000, v12;
	v57 =	vshll.u32 v14, $0x10  }
0x1ac: {  	v58 =	vld.idx.msk [tilespmem:v23+s20+$0x0], $0xffff;
	v4 =	vadd.f32 v56, v4;
	v14 =	vand.u32 $0xFFFF0000, v14;
	v11 =	vadd.f32 v57, v51  }
0x1ad: {  	v5 =	vadd.f32 v12, v5;
	v9 =	vadd.f32 v14, v9;
	v59 =	vshll.u32 v52, $0x10  }
0x1ae: {  	v4 =	vadd.f32 v55, v4;
	v10 =	vand.u32 $0xFFFF0000, v52;
	v11 =	vadd.f32 v59, v11  }
0x1af: {  	v5 =	vadd.f32 v8, v5;
	v61 =	vshll.u32 v3, $0x10;
	v60 =	vadd.f32 v10, v9  }
0x1b0: {  	v4 =	vadd.f32 v53, v4;
	v3 =	vand.u32 $0xFFFF0000, v3;
	v9 =	vadd.f32 v61, v11  }
0x1b1: {  	s0 =	sadd.s32 $0x1, s0;
	v5 =	vadd.f32 v6, v5;
	v62 =	vshll.u32 v58, $0x10;
	v3 =	vadd.f32 v3, v60  }
0x1b2: {  	p2 =	sne.s32 s0, $0x8;
	v63 =	vand.u32 $0xFFFF0000, v58;
	v4 =	vadd.f32 v54, v4;
	v6 =	vadd.f32 v62, v9  }
.Ltmp11:
0x1b3: {  	v5 =	vadd.f32 v7, v5;
	v3 =	vadd.f32 v63, v3;
	(pc) =	sbr.rel @p2 .LBB2_15-.Ltmp11, $4  }
0x1b4: {  	v4 =	vadd.f32 v6, v4  }
0x1b5: {  	v3 =	vadd.f32 v3, v5  }
0x1b6: {  	[tilespmem:s16+$0x1FD00] =	vst v4  }
0x1b7: {  	s15 =	sadd.s32 $0x10, s15;
	[tilespmem:s16+$0x1FD80] =	vst v3  }
0x1b8: {  	s0 =	sadd.s32 @!p1 $0x6, s31  }
0x1b9: {  	s15 =	smulhi.u32 @!p1 $0x66666667, s0;
	_ =	sdelay $0x1  }
0x1ba: {  	s15 =	sshrl.u32 @!p1 s15, $0x1  }
0x1bb: {  	s17 =	sor.u32 $0x2, s31;
	s16 =	smul.u32 @!p1 $0x5, s15  }
0x1bc: {  	s18 =	smulhi.u32 $0x66666667, s17  }
0x1bd: {  	s0 =	ssub.s32 @!p1 s0, s16  }
0x1be: {  	s16 =	smul.u32 @!p1 $0xA0000, s0;
	s0 =	sshrl.u32 s18, $0x1  }
0x1bf: {  	s15 =	sadd.s32 @!p1 s10, s15;
	s18 =	smul.u32 $0x5, s0  }
0x1c0: {  	s15 =	sshll.u32 @!p1 s15, $0xA  }
0x1c1: {  	s15 =	sadd.s32 @!p1 s16, s15;
	s16 =	ssub.s32 s17, s18  }
0x1c2: {  	p2 =	sne.s32 s16, $0x4  }
.Ltmp12:
0x1c3: {  	_ = 	snop;
	(pc) =	sbr.rel @p2 .LBB2_20-.Ltmp12, $4  }
0x1c4: {  	_ = 	snop  }
0x1c5: {  	s22 =	simm.s32 @!p1 $0x1D100;
	s15 =	sshrl.u32 @!p1 s15, $0x3  }
0x1c6: {  	s17 =	simm.s32 @!p1 $0x400;
	s18 =	simm.s32 @!p1 $0x20000;
	s15 =	sadd.s32 @!p1 s1, s15  }
0x1c7: {  	[tilespmem:s22], [sflag:$0x3] =	stream.strided.gather @!p1 [hbm4b:s15+s17], $0x1400, s18, s17, $0x38;
	[tilespmem:$0x1FF00] =	vst v63  }
0x1c8: {  	v3 =	vld [tilespmem:$0x1FD00]  }
0x1c9: {  	v4 =	vld [tilespmem:$0x1FD80];
	_ =	sdelay $0x3  }
0x1ca: {  	v3 =	vmul.f32 $4.999999890e-03, v3  }
0x1cb: {  	v4 =	vmul.f32 $4.999999890e-03, v4  }
0x1cc: {  	s0 =	sshll.u32 s0, $0x8;
	v3 =	vadd.f32 v3, v1  }
0x1cd: {  	s0 =	sand.u32 $0x3FFFFF00, s0;
	v4 =	vadd.f32 v4, v2  }
0x1ce: {  	[tilespmem:s0+$0x1F900] =	vst v3  }
0x1cf: {  	[tilespmem:s0+$0x1F980] =	vst v4  }
0x1d0: {  	v3 =	vld [tilespmem:$0x1FD10]  }
0x1d1: {  	v4 =	vld [tilespmem:$0x1FD90];
	_ =	sdelay $0x3  }
0x1d2: {  	v3 =	vmul.f32 $4.999999890e-03, v3  }
0x1d3: {  	v4 =	vmul.f32 $4.999999890e-03, v4  }
0x1d4: {  	[tilespmem:$0x1FD00] =	vst v0;
	v3 =	vadd.f32 v3, v1  }
0x1d5: {  	[tilespmem:$0x1FD80] =	vst v0;
	v4 =	vadd.f32 v4, v2  }
0x1d6: {  	[tilespmem:s0+$0x1F910] =	vst v3  }
0x1d7: {  	[tilespmem:s0+$0x1F990] =	vst v4  }
0x1d8: {  	v3 =	vld [tilespmem:$0x1FD20]  }
0x1d9: {  	v4 =	vld [tilespmem:$0x1FDA0];
	_ =	sdelay $0x3  }
0x1da: {  	v3 =	vmul.f32 $4.999999890e-03, v3  }
0x1db: {  	v4 =	vmul.f32 $4.999999890e-03, v4  }
0x1dc: {  	[tilespmem:$0x1FD10] =	vst v0;
	v3 =	vadd.f32 v3, v1  }
0x1dd: {  	[tilespmem:$0x1FD90] =	vst v0;
	v4 =	vadd.f32 v4, v2  }
0x1de: {  	[tilespmem:s0+$0x1F920] =	vst v3  }
0x1df: {  	[tilespmem:s0+$0x1F9A0] =	vst v4  }
0x1e0: {  	v3 =	vld [tilespmem:$0x1FD30]  }
0x1e1: {  	v4 =	vld [tilespmem:$0x1FDB0];
	_ =	sdelay $0x3  }
0x1e2: {  	v3 =	vmul.f32 $4.999999890e-03, v3  }
0x1e3: {  	v4 =	vmul.f32 $4.999999890e-03, v4  }
0x1e4: {  	[tilespmem:$0x1FD20] =	vst v0;
	v3 =	vadd.f32 v3, v1  }
0x1e5: {  	[tilespmem:$0x1FDA0] =	vst v0;
	v4 =	vadd.f32 v4, v2  }
0x1e6: {  	[tilespmem:s0+$0x1F930] =	vst v3  }
0x1e7: {  	[tilespmem:s0+$0x1F9B0] =	vst v4  }
0x1e8: {  	v3 =	vld [tilespmem:$0x1FD40]  }
0x1e9: {  	v4 =	vld [tilespmem:$0x1FDC0];
	_ =	sdelay $0x3  }
0x1ea: {  	v3 =	vmul.f32 $4.999999890e-03, v3  }
0x1eb: {  	v4 =	vmul.f32 $4.999999890e-03, v4  }
0x1ec: {  	[tilespmem:$0x1FD30] =	vst v0;
	v3 =	vadd.f32 v3, v1  }
0x1ed: {  	[tilespmem:$0x1FDB0] =	vst v0;
	v4 =	vadd.f32 v4, v2  }
0x1ee: {  	[tilespmem:s0+$0x1F940] =	vst v3  }
0x1ef: {  	[tilespmem:s0+$0x1F9C0] =	vst v4  }
0x1f0: {  	v3 =	vld [tilespmem:$0x1FD50]  }
0x1f1: {  	v4 =	vld [tilespmem:$0x1FDD0];
	_ =	sdelay $0x3  }
0x1f2: {  	v3 =	vmul.f32 $4.999999890e-03, v3  }
0x1f3: {  	v4 =	vmul.f32 $4.999999890e-03, v4  }
0x1f4: {  	[tilespmem:$0x1FD40] =	vst v0;
	v3 =	vadd.f32 v3, v1  }
0x1f5: {  	[tilespmem:$0x1FDC0] =	vst v0;
	v4 =	vadd.f32 v4, v2  }
0x1f6: {  	[tilespmem:s0+$0x1F950] =	vst v3  }
0x1f7: {  	[tilespmem:s0+$0x1F9D0] =	vst v4  }
0x1f8: {  	v3 =	vld [tilespmem:$0x1FD60]  }
0x1f9: {  	v4 =	vld [tilespmem:$0x1FDE0];
	_ =	sdelay $0x3  }
0x1fa: {  	v3 =	vmul.f32 $4.999999890e-03, v3  }
0x1fb: {  	v4 =	vmul.f32 $4.999999890e-03, v4  }
0x1fc: {  	[tilespmem:$0x1FD50] =	vst v0;
	v3 =	vadd.f32 v3, v1  }
0x1fd: {  	[tilespmem:$0x1FDD0] =	vst v0;
	v4 =	vadd.f32 v4, v2  }
0x1fe: {  	[tilespmem:s0+$0x1F960] =	vst v3  }
0x1ff: {  	[tilespmem:s0+$0x1F9E0] =	vst v4  }
0x200: {  	v3 =	vld [tilespmem:$0x1FD70]  }
0x201: {  	v4 =	vld [tilespmem:$0x1FDF0];
	_ =	sdelay $0x3  }
0x202: {  	v3 =	vmul.f32 $4.999999890e-03, v3  }
0x203: {  	v4 =	vmul.f32 $4.999999890e-03, v4  }
0x204: {  	[tilespmem:$0x1FD60] =	vst v0;
	v3 =	vadd.f32 v3, v1  }
0x205: {  	[tilespmem:$0x1FDE0] =	vst v0;
	v4 =	vadd.f32 v4, v2  }
0x206: {  	[tilespmem:s0+$0x1F970] =	vst v3  }
0x207: {  	[tilespmem:s0+$0x1F9F0] =	vst v4  }
0x208: {  	[tilespmem:$0x1FD70] =	vst v0  }
0x209: {  	[tilespmem:$0x1FDF0] =	vst v0  }
.LBB2_20:
0x20a: {  	_ =	swait.ge [sflag:s26], $0x1400  }
0x20b: {  	[sflag:s26] =	ssyncset.done $0x0  }
0x20c: {  	s0 =	simm.s32 $0x0;
	s15 =	simm.s32 $0x1E700;
	[sflag:s26] =	ssyncadd.s32 $0xFFFFEC00  }
.LBB2_21:
0x20d: {  	v3 =	vmov s15;
	_ =	sdelay $0x1  }
0x20e: {  	s16 =	sshll.u32 s0, $0x4  }
0x20f: {  	v14 =	vld [tilespmem:s16+$0x1FD00]  }
0x210: {  	s17 =	simm.s32 $0x0;
	v19 =	vld [tilespmem:s16+$0x1FD80]  }
0x211: {  	v4 =	vld.idx.msk [tilespmem:v3+s17+$0x100 ss:$0x1], $0xffff  }
0x212: {  	v5 =	vld.idx.msk [tilespmem:v3+s17+$0x0 ss:$0x1], $0xffff  }
0x213: {  	v6 =	vld.idx.msk [tilespmem:v3+s17+$0xFFFFFF00 ss:$0x1], $0xffff  }
0x214: {  	v7 =	vld.idx.msk [tilespmem:v3+s17+$0xFFFFFE00 ss:$0x1], $0xffff  }
0x215: {  	v8 =	vld.idx.msk [tilespmem:v3+s17+$0xFFFFFE80 ss:$0x1], $0xffff  }
0x216: {  	v11 =	vld.idx.msk [tilespmem:v3+s17+$0x180 ss:$0x1], $0xffff  }
0x217: {  	v9 =	vld.idx.msk [tilespmem:v3+s17+$0xFFFFFF80 ss:$0x1], $0xffff  }
0x218: {  	v12 =	vld.idx.msk [tilespmem:v3+s17+$0x80 ss:$0x1], $0xffff  }
0x219: {  	v15 =	vld.idx.msk [tilespmem:v4+s20+$0x0], $0xffff  }
0x21a: {  	v18 =	vld.idx.msk [tilespmem:v5+s20+$0x0], $0xffff  }
0x21b: {  	v17 =	vld.idx.msk [tilespmem:v6+s20+$0x0], $0xffff  }
0x21c: {  	v20 =	vld.idx.msk [tilespmem:v7+s20+$0x0], $0xffff  }
0x21d: {  	s17 =	simm.s32 $0x400;
	v21 =	vld.idx.msk [tilespmem:v8+s20+$0x0], $0xffff  }
0x21e: {  	v7 =	vld.idx.msk [tilespmem:v3+s17+$0x100 ss:$0x1], $0xffff  }
0x21f: {  	v13 =	vld.idx.msk [tilespmem:v9+s20+$0x0], $0xffff  }
0x220: {  	v22 =	vimm.f32 $0.0e+00;
	v6 =	vld.idx.msk [tilespmem:v3+s17+$0x0 ss:$0x1], $0xffff  }
0x221: {  	v9 =	vld.idx.msk [tilespmem:v12+s20+$0x0], $0xffff;
	v10 =	vshll.u32 v18, $0x10;
	v4 =	vshll.u32 v15, $0x10;
	v5 =	vand.u32 $0xFFFF0000, v15  }
0x222: {  	v8 =	vld.idx.msk [tilespmem:v3+s17+$0xFFFFFF00 ss:$0x1], $0xffff;
	v16 =	vshll.u32 v17, $0x10;
	v17 =	vand.u32 $0xFFFF0000, v17;
	v15 =	vand.u32 $0xFFFF0000, v18  }
0x223: {  	v11 =	vld.idx.msk [tilespmem:v11+s20+$0x0], $0xffff;
	v18 =	vshll.u32 v20, $0x10;
	v20 =	vand.u32 $0xFFFF0000, v20;
	v23 =	vshll.u32 v21, $0x10  }
0x224: {  	v12 =	vld.idx.msk [tilespmem:v3+s17+$0xFFFFFE00 ss:$0x1], $0xffff;
	v21 =	vand.u32 $0xFFFF0000, v21;
	v18 =	vadd.f32 v18, v14;
	v19 =	vadd.f32 v20, v19  }
0x225: {  	s18 =	simm.s32 $0x2000;
	v14 =	vld.idx.msk [tilespmem:v3+s17+$0xFFFFFE80 ss:$0x1], $0xffff;
	v20 =	vadd.f32 v23, v22;
	v21 =	vadd.f32 v21, v22;
	v22 =	vshll.u32 v13, $0x10  }
.LBB2_22:
0x226: {  	p2 =	sne.s32 s18, $0x4000;
	v23 =	vld.idx.msk [tilespmem:v3+s17+$0x180 ss:$0x1], $0xffff;
	v16 =	vadd.f32 v16, v18;
	v17 =	vadd.f32 v17, v19;
	v13 =	vand.u32 $0xFFFF0000, v13  }
0x227: {  	v18 =	vld.idx.msk [tilespmem:v3+s17+$0xFFFFFF80 ss:$0x1], $0xffff;
	v19 =	vadd.f32 v22, v20;
	v13 =	vadd.f32 v13, v21;
	v20 =	vshll.u32 v9, $0x10  }
0x228: {  	v9 =	vand.u32 $0xFFFF0000, v9;
	v21 =	vld.idx.msk [tilespmem:v3+s17+$0x80 ss:$0x1], $0xffff;
	v10 =	vadd.f32 v10, v16;
	v15 =	vadd.f32 v15, v17  }
0x229: {  	v16 =	vld.idx.msk [tilespmem:v7+s20+$0x0], $0xffff;
	v7 =	vadd.f32 v20, v19;
	v9 =	vadd.f32 v9, v13;
	v13 =	vshll.u32 v11, $0x10  }
0x22a: {  	v19 =	vld.idx.msk [tilespmem:v6+s20+$0x0], $0xffff;
	v20 =	vadd.f32 v4, v10;
	v22 =	vadd.f32 v5, v15;
	v4 =	vand.u32 $0xFFFF0000, v11  }
0x22b: {  	v11 =	vld.idx.msk [tilespmem:v8+s20+$0x0], $0xffff;
	v24 =	vadd.f32 v13, v7;
	v25 =	vadd.f32 v4, v9  }
0x22c: {  	v12 =	vld.idx.msk [tilespmem:v12+s20+$0x0], $0xffff  }
0x22d: {  	s17 =	sshra.s32 s18, $0x2;
	v14 =	vld.idx.msk [tilespmem:v14+s20+$0x0], $0xffff  }
0x22e: {  	v7 =	vld.idx.msk [tilespmem:v3+s17+$0x100 ss:$0x1], $0xffff  }
0x22f: {  	v13 =	vld.idx.msk [tilespmem:v18+s20+$0x0], $0xffff  }
0x230: {  	v6 =	vld.idx.msk [tilespmem:v3+s17+$0x0 ss:$0x1], $0xffff  }
.Ltmp13:
0x231: {  	v4 =	vshll.u32 v16, $0x10;
	v5 =	vand.u32 $0xFFFF0000, v16;
	v10 =	vshll.u32 v19, $0x10;
	v9 =	vld.idx.msk [tilespmem:v21+s20+$0x0], $0xffff;
	(pc) =	sbr.rel @p2 .LBB2_22-.Ltmp13, $4  }
0x232: {  	v15 =	vand.u32 $0xFFFF0000, v19;
	v16 =	vshll.u32 v11, $0x10;
	v17 =	vand.u32 $0xFFFF0000, v11;
	v8 =	vld.idx.msk [tilespmem:v3+s17+$0xFFFFFF00 ss:$0x1], $0xffff  }
0x233: {  	v18 =	vshll.u32 v12, $0x10;
	v19 =	vand.u32 $0xFFFF0000, v12;
	v21 =	vshll.u32 v14, $0x10;
	v11 =	vld.idx.msk [tilespmem:v23+s20+$0x0], $0xffff  }
0x234: {  	v18 =	vadd.f32 v18, v20;
	v19 =	vadd.f32 v19, v22;
	v22 =	vand.u32 $0xFFFF0000, v14;
	v12 =	vld.idx.msk [tilespmem:v3+s17+$0xFFFFFE00 ss:$0x1], $0xffff  }
0x235: {  	s18 =	sadd.s32 $0x1000, s18;
	v20 =	vadd.f32 v21, v24;
	v21 =	vadd.f32 v22, v25;
	v22 =	vshll.u32 v13, $0x10;
	v14 =	vld.idx.msk [tilespmem:v3+s17+$0xFFFFFE80 ss:$0x1], $0xffff  }
0x236: {  	_ =	sdelay $0x3  }
0x237: {  	v23 =	vld.idx.msk [tilespmem:v3+s17+$0x180 ss:$0x1], $0xffff  }
0x238: {  	v24 =	vld.idx.msk [tilespmem:v3+s17+$0xFFFFFF80 ss:$0x1], $0xffff  }
0x239: {  	v3 =	vld.idx.msk [tilespmem:v3+s17+$0x80 ss:$0x1], $0xffff  }
0x23a: {  	v7 =	vld.idx.msk [tilespmem:v7+s20+$0x0], $0xffff  }
0x23b: {  	v16 =	vadd.f32 v16, v18;
	v17 =	vadd.f32 v17, v19;
	v13 =	vand.u32 $0xFFFF0000, v13;
	v6 =	vld.idx.msk [tilespmem:v6+s20+$0x0], $0xffff  }
0x23c: {  	v46 =	vshll.u32 v9, $0x10;
	v45 =	vadd.f32 v22, v20;
	v13 =	vadd.f32 v13, v21;
	v8 =	vld.idx.msk [tilespmem:v8+s20+$0x0], $0xffff  }
0x23d: {  	v47 =	vand.u32 $0xFFFF0000, v9;
	v10 =	vadd.f32 v10, v16;
	v15 =	vadd.f32 v15, v17;
	v12 =	vld.idx.msk [tilespmem:v12+s20+$0x0], $0xffff  }
0x23e: {  	v49 =	vshll.u32 v11, $0x10;
	v48 =	vadd.f32 v46, v45;
	v9 =	vadd.f32 v47, v13;
	v14 =	vld.idx.msk [tilespmem:v14+s20+$0x0], $0xffff  }
0x23f: {  	v50 =	vand.u32 $0xFFFF0000, v11;
	v4 =	vadd.f32 v4, v10;
	v5 =	vadd.f32 v5, v15  }
0x240: {  	v51 =	vadd.f32 v49, v48;
	v9 =	vadd.f32 v50, v9;
	v52 =	vld.idx.msk [tilespmem:v24+s20+$0x0], $0xffff  }
0x241: {  	v53 =	vshll.u32 v6, $0x10;
	v54 =	vshll.u32 v7, $0x10;
	v7 =	vand.u32 $0xFFFF0000, v7  }
0x242: {  	v6 =	vand.u32 $0xFFFF0000, v6;
	v55 =	vshll.u32 v8, $0x10;
	v8 =	vand.u32 $0xFFFF0000, v8;
	v3 =	vld.idx.msk [tilespmem:v3+s20+$0x0], $0xffff  }
0x243: {  	v56 =	vshll.u32 v12, $0x10;
	v12 =	vand.u32 $0xFFFF0000, v12;
	v57 =	vshll.u32 v14, $0x10  }
0x244: {  	v58 =	vld.idx.msk [tilespmem:v23+s20+$0x0], $0xffff;
	v4 =	vadd.f32 v56, v4;
	v14 =	vand.u32 $0xFFFF0000, v14;
	v11 =	vadd.f32 v57, v51  }
0x245: {  	v5 =	vadd.f32 v12, v5;
	v9 =	vadd.f32 v14, v9;
	v59 =	vshll.u32 v52, $0x10  }
0x246: {  	v4 =	vadd.f32 v55, v4;
	v10 =	vand.u32 $0xFFFF0000, v52;
	v11 =	vadd.f32 v59, v11  }
0x247: {  	v5 =	vadd.f32 v8, v5;
	v61 =	vshll.u32 v3, $0x10;
	v60 =	vadd.f32 v10, v9  }
0x248: {  	v4 =	vadd.f32 v53, v4;
	v3 =	vand.u32 $0xFFFF0000, v3;
	v9 =	vadd.f32 v61, v11  }
0x249: {  	s0 =	sadd.s32 $0x1, s0;
	v5 =	vadd.f32 v6, v5;
	v62 =	vshll.u32 v58, $0x10;
	v3 =	vadd.f32 v3, v60  }
0x24a: {  	p2 =	sne.s32 s0, $0x8;
	v63 =	vand.u32 $0xFFFF0000, v58;
	v4 =	vadd.f32 v54, v4;
	v6 =	vadd.f32 v62, v9  }
.Ltmp14:
0x24b: {  	v5 =	vadd.f32 v7, v5;
	v3 =	vadd.f32 v63, v3;
	(pc) =	sbr.rel @p2 .LBB2_21-.Ltmp14, $4  }
0x24c: {  	v4 =	vadd.f32 v6, v4  }
0x24d: {  	v3 =	vadd.f32 v3, v5  }
0x24e: {  	[tilespmem:s16+$0x1FD00] =	vst v4  }
0x24f: {  	s15 =	sadd.s32 $0x10, s15;
	[tilespmem:s16+$0x1FD80] =	vst v3  }
0x250: {  	s0 =	sadd.s32 @!p1 $0x7, s31  }
0x251: {  	s15 =	smulhi.u32 @!p1 $0x66666667, s0;
	_ =	sdelay $0x1  }
0x252: {  	s15 =	sshrl.u32 @!p1 s15, $0x1  }
0x253: {  	s17 =	sor.u32 $0x3, s31;
	s16 =	smul.u32 @!p1 $0x5, s15  }
0x254: {  	s18 =	smulhi.u32 $0x66666667, s17  }
0x255: {  	s0 =	ssub.s32 @!p1 s0, s16  }
0x256: {  	s15 =	sadd.s32 @!p1 s10, s15;
	s16 =	smul.u32 @!p1 $0xA0000, s0;
	s0 =	sshrl.u32 s18, $0x1  }
0x257: {  	s15 =	sshll.u32 @!p1 s15, $0xA;
	s18 =	smul.u32 $0x5, s0  }
0x258: {  	s15 =	sadd.s32 @!p1 s16, s15  }
0x259: {  	s22 =	simm.s32 @!p1 $0x1E500;
	s15 =	sshrl.u32 @!p1 s15, $0x3;
	s31 =	ssub.s32 s17, s18  }
0x25a: {  	s17 =	simm.s32 @!p1 $0x400;
	s18 =	simm.s32 @!p1 $0x20000;
	s15 =	sadd.s32 @!p1 s1, s15  }
0x25b: {  	[tilespmem:s22], [sflag:$0x4] =	stream.strided.gather @!p1 [hbm4b:s15+s17], $0x1400, s18, s17, $0x38;
	[tilespmem:$0x1FF00] =	vst v63  }
0x25c: {  	p1 =	sne.s32 s31, $0x4  }
.Ltmp15:
0x25d: {  	_ = 	snop;
	(pc) =	sbr.rel @p1 .LBB2_26-.Ltmp15, $1  }
0x25e: {  	_ =	sdelay $0x3  }
0x25f: {  	v3 =	vld [tilespmem:$0x1FD00]  }
0x260: {  	v4 =	vld [tilespmem:$0x1FD80];
	_ =	sdelay $0x3  }
0x261: {  	v3 =	vmul.f32 $4.999999890e-03, v3  }
0x262: {  	v4 =	vmul.f32 $4.999999890e-03, v4  }
0x263: {  	s0 =	sshll.u32 s0, $0x8;
	v3 =	vadd.f32 v3, v1  }
0x264: {  	s0 =	sand.u32 $0x3FFFFF00, s0;
	v4 =	vadd.f32 v4, v2  }
0x265: {  	[tilespmem:s0+$0x1F900] =	vst v3  }
0x266: {  	[tilespmem:s0+$0x1F980] =	vst v4  }
0x267: {  	v3 =	vld [tilespmem:$0x1FD10]  }
0x268: {  	v4 =	vld [tilespmem:$0x1FD90];
	_ =	sdelay $0x3  }
0x269: {  	v3 =	vmul.f32 $4.999999890e-03, v3  }
0x26a: {  	v4 =	vmul.f32 $4.999999890e-03, v4  }
0x26b: {  	[tilespmem:$0x1FD00] =	vst v0;
	v3 =	vadd.f32 v3, v1  }
0x26c: {  	[tilespmem:$0x1FD80] =	vst v0;
	v4 =	vadd.f32 v4, v2  }
0x26d: {  	[tilespmem:s0+$0x1F910] =	vst v3  }
0x26e: {  	[tilespmem:s0+$0x1F990] =	vst v4  }
0x26f: {  	v3 =	vld [tilespmem:$0x1FD20]  }
0x270: {  	v4 =	vld [tilespmem:$0x1FDA0];
	_ =	sdelay $0x3  }
0x271: {  	v3 =	vmul.f32 $4.999999890e-03, v3  }
0x272: {  	v4 =	vmul.f32 $4.999999890e-03, v4  }
0x273: {  	[tilespmem:$0x1FD10] =	vst v0;
	v3 =	vadd.f32 v3, v1  }
0x274: {  	[tilespmem:$0x1FD90] =	vst v0;
	v4 =	vadd.f32 v4, v2  }
0x275: {  	[tilespmem:s0+$0x1F920] =	vst v3  }
0x276: {  	[tilespmem:s0+$0x1F9A0] =	vst v4  }
0x277: {  	v3 =	vld [tilespmem:$0x1FD30]  }
0x278: {  	v4 =	vld [tilespmem:$0x1FDB0];
	_ =	sdelay $0x3  }
0x279: {  	v3 =	vmul.f32 $4.999999890e-03, v3  }
0x27a: {  	v4 =	vmul.f32 $4.999999890e-03, v4  }
0x27b: {  	[tilespmem:$0x1FD20] =	vst v0;
	v3 =	vadd.f32 v3, v1  }
0x27c: {  	[tilespmem:$0x1FDA0] =	vst v0;
	v4 =	vadd.f32 v4, v2  }
0x27d: {  	[tilespmem:s0+$0x1F930] =	vst v3  }
0x27e: {  	[tilespmem:s0+$0x1F9B0] =	vst v4  }
0x27f: {  	v3 =	vld [tilespmem:$0x1FD40]  }
0x280: {  	v4 =	vld [tilespmem:$0x1FDC0];
	_ =	sdelay $0x3  }
0x281: {  	v3 =	vmul.f32 $4.999999890e-03, v3  }
0x282: {  	v4 =	vmul.f32 $4.999999890e-03, v4  }
0x283: {  	[tilespmem:$0x1FD30] =	vst v0;
	v3 =	vadd.f32 v3, v1  }
0x284: {  	[tilespmem:$0x1FDB0] =	vst v0;
	v4 =	vadd.f32 v4, v2  }
0x285: {  	[tilespmem:s0+$0x1F940] =	vst v3  }
0x286: {  	[tilespmem:s0+$0x1F9C0] =	vst v4  }
0x287: {  	v3 =	vld [tilespmem:$0x1FD50]  }
0x288: {  	v4 =	vld [tilespmem:$0x1FDD0];
	_ =	sdelay $0x3  }
0x289: {  	v3 =	vmul.f32 $4.999999890e-03, v3  }
0x28a: {  	v4 =	vmul.f32 $4.999999890e-03, v4  }
0x28b: {  	[tilespmem:$0x1FD40] =	vst v0;
	v3 =	vadd.f32 v3, v1  }
0x28c: {  	[tilespmem:$0x1FDC0] =	vst v0;
	v4 =	vadd.f32 v4, v2  }
0x28d: {  	[tilespmem:s0+$0x1F950] =	vst v3  }
0x28e: {  	[tilespmem:s0+$0x1F9D0] =	vst v4  }
0x28f: {  	v3 =	vld [tilespmem:$0x1FD60]  }
0x290: {  	v4 =	vld [tilespmem:$0x1FDE0];
	_ =	sdelay $0x3  }
0x291: {  	v3 =	vmul.f32 $4.999999890e-03, v3  }
0x292: {  	v4 =	vmul.f32 $4.999999890e-03, v4  }
0x293: {  	[tilespmem:$0x1FD50] =	vst v0;
	v3 =	vadd.f32 v3, v1  }
0x294: {  	[tilespmem:$0x1FDD0] =	vst v0;
	v4 =	vadd.f32 v4, v2  }
0x295: {  	[tilespmem:s0+$0x1F960] =	vst v3  }
0x296: {  	[tilespmem:s0+$0x1F9E0] =	vst v4  }
0x297: {  	v3 =	vld [tilespmem:$0x1FD70]  }
0x298: {  	v4 =	vld [tilespmem:$0x1FDF0];
	_ =	sdelay $0x3  }
0x299: {  	v3 =	vmul.f32 $4.999999890e-03, v3  }
0x29a: {  	v4 =	vmul.f32 $4.999999890e-03, v4  }
0x29b: {  	[tilespmem:$0x1FD60] =	vst v0;
	v3 =	vadd.f32 v3, v1  }
.Ltmp16:
0x29c: {  	[tilespmem:$0x1FDE0] =	vst v0;
	v4 =	vadd.f32 v4, v2;
	(pc) =	sbr.rel .LBB2_26-.Ltmp16, $4  }
0x29d: {  	[tilespmem:s0+$0x1F970] =	vst v3  }
0x29e: {  	[tilespmem:s0+$0x1F9F0] =	vst v4  }
0x29f: {  	[tilespmem:$0x1FD70] =	vst v0  }
0x2a0: {  	[tilespmem:$0x1FDF0] =	vst v0  }
.LBB2_28:
0x2a1: {  	_ =	sfence.sel $0x180000  }
0x2a2: {  	[bflag:$0x0] =	sbarrier.arrive $0xFFFF  }
0x2a3: {  	_ =	strace $0x90000047  }
0x2a4: {  	[bflag:$0x2] =	sbarrier.arrive $0xFFFF  }
0x2a5: {  	s0 =	rddreg [dreg:$0x4]  }
0x2a6: {  	s0 =	sadd.s32 @!p0 $0x100000, s0  }
0x2a7: {  	[sflag:s0] =	ssyncadd.tile.s32 @!p0 $0x1;
	_ =	shalt  }
.Lfunc_end2:
_tile_overlayer_lowered:
.L_overlay_start_2:
0x2a8: {  	(tag) =	ssettag $0x2  }
0x2a9: {  	s0 =	rddreg [dreg:$0x0];
	s2 =	stileid.u32  }
0x2aa: {  	s1 =	rddreg [dreg:$0x1];
	p0 =	sne.s32 s2, $0x0  }
0x2ab: {  	s3 =	rddreg [dreg:$0x2];
	[bflag:$0x3] =	sbarrier.arrive $0xFFFF;
	s2 =	simm.s32 @!p0 $0x1C05  }
0x2ac: {  	[timem:s3], [sflag:s2] =	dma.local @!p0 [hbm:s0], s1  }
0x2ad: {  	s0 =	simm.s32 @!p0 $0x5  }
0x2ae: {  	_ =	swait.ge @!p0 [sflag:s0], s1  }
0x2af: {  	s1 =	ssub.s32 @!p0 $0x0, s1;
	[sflag:s0] =	ssyncset.done @!p0 $0x0  }
0x2b0: {  	[sflag:s0] =	ssyncadd.s32 @!p0 s1  }
0x2b1: {  	[bflag:$0x3] =	sbarrier.arrive $0xFFFF  }
0x2b2: {  	_ =	shalt  }

</sc_bundles>
